<compile_context>
chip_gen: v7x
topology: tpu7x:2x2x1
jax: 0.10.2.dev20260603
libtpu: 0.0.44.dev20260713+nightly
codegen_flags: <defaults>
</compile_context>

<pallas_src>
import functools

import numpy as np
import jax
from jax import lax
import jax.numpy as jnp
from jax.experimental import pallas as pl
from jax.experimental.pallas import tpu as pltpu
from jax.experimental.pallas import tpu_sc as plsc

_IMG_SIZE = (16, 224, 224)
_GRID = (8, 14, 14)
_BLOCK = (2, 2, 2)
_MASK_RATIO = 0.75
_MAX_BLOCK_ATTEMPTS = 1000
_BATCH = 8
_NUM_PATCHES = _GRID[0] * _GRID[1] * _GRID[2]


def _sample_block_mask_np(valid_grid, num_masked, rng):
    masked = np.zeros_like(valid_grid, dtype=bool)
    if num_masked <= 0:
        return masked
    max_starts = tuple(d - s + 1 for d, s in zip(_GRID, _BLOCK))
    masked_count = 0
    if all(m > 0 for m in max_starts):
        for _ in range(_MAX_BLOCK_ATTEMPTS):
            remaining = num_masked - masked_count
            if remaining <= 0:
                break
            starts = [int(rng.integers(m)) for m in max_starts]
            sl = tuple(slice(s, s + k) for s, k in zip(starts, _BLOCK))
            avail = valid_grid[sl] & ~masked[sl]
            num_new = int(avail.sum())
            if num_new == 0 or num_new > remaining:
                continue
            masked[sl] |= avail
            masked_count += num_new
    remaining = num_masked - masked_count
    if remaining > 0:
        avail_ids = np.flatnonzero(valid_grid & ~masked)
        if remaining > avail_ids.size:
            raise ValueError('cannot mask enough patches')
        order = rng.permutation(avail_ids.size)
        flat = masked.reshape(-1)
        flat[avail_ids[order[:remaining]]] = True
        masked = flat.reshape(masked.shape)
    return masked


def _build_visible_np():
    valid_np = np.ones((_BATCH, _NUM_PATCHES), dtype=bool)
    counts = valid_np.sum(axis=1)
    len_keep = int((1.0 - _MASK_RATIO) * counts.min())
    rng = np.random.default_rng(0)
    masked = np.zeros_like(valid_np, dtype=bool)
    for b in range(_BATCH):
        nm = int(counts[b]) - len_keep
        masked[b] = _sample_block_mask_np(
            valid_np[b].reshape(_GRID), nm, rng).reshape(-1)
    return valid_np & ~masked


_VISIBLE = _build_visible_np().reshape(
    (_BATCH,) + _GRID).astype(np.float32)


_N_PD = 8


def _mask_kernel(x_ref, vis_ref, o_ref):
    ii = jax.lax.broadcasted_iota(jnp.int32, (224, 14), 0)
    jj = jax.lax.broadcasted_iota(jnp.int32, (224, 14), 1)
    pool = (ii // 16 == jj).astype(jnp.float32)
    x = x_ref[0].reshape(_N_PD, 2, 224, 224)
    nz = ((x[:, 0] != 0) | (x[:, 1] != 0)).astype(jnp.float32)
    b1 = jax.lax.dot_general(pool, nz, (((0,), (1,)), ((), ())),
                             preferred_element_type=jnp.float32)
    c = jax.lax.dot_general(b1, pool, (((2,), (0,)), ((), ())),
                            preferred_element_type=jnp.float32)
    vis = vis_ref[0, 0]
    flag = jnp.where((c > 0) & (vis > 0), 1.0, 0.0)
    rowpat = jax.lax.dot_general(flag, pool, (((2,), (1,)), ((), ())),
                                 preferred_element_type=jnp.float32)
    for ph in range(14):
        for pd in range(_N_PD):
            blk = jnp.broadcast_to(rowpat[ph, pd:pd + 1, :], (16, 224))
            o_ref[0, 2 * pd, 16 * ph:16 * (ph + 1), :] = blk
            o_ref[0, 2 * pd + 1, 16 * ph:16 * (ph + 1), :] = blk


_VIS_T = np.ascontiguousarray(
    _VISIBLE.reshape(_BATCH, 8 // _N_PD, _N_PD, 14, 14)
    .transpose(0, 1, 3, 2, 4))



_VIS_ROWS = np.repeat(
    _VISIBLE.reshape(_BATCH * 8 * 14, 14), 16, axis=1).astype(np.float32)


def _sc_unit_body(x_hbm, o_hbm, in0, in1, visb_all, outb, patv, accb,
                  sem, unit, u):
    b = unit // 112
    rem = unit - b * 112
    pd = rem // 14
    ph = rem - pd * 14
    row0 = (b * 16 + 2 * pd) * 224 + 16 * ph
    c1 = pltpu.make_async_copy(x_hbm.at[pl.ds(row0, 16)], in0, sem)
    c2 = pltpu.make_async_copy(x_hbm.at[pl.ds(row0 + 224, 16)], in1, sem)
    c1.start(); c2.start()
    c1.wait(); c2.wait()
    zeros = jnp.zeros((16,), jnp.float32)
    ones = jnp.ones((16,), jnp.float32)

    def rowany_body(pw, carry):
        sl = pl.ds(pw * 16, 16)
        m = in0[0, sl] != 0.0
        for r in range(1, 16):
            m = m | (in0[r, sl] != 0.0)
        for r in range(16):
            m = m | (in1[r, sl] != 0.0)
        patv[sl] = jnp.where(m, ones, zeros)
        return carry

    lax.fori_loop(0, 14, rowany_body, 0)
    patv[pl.ds(224, 16)] = zeros
    patv[pl.ds(240, 16)] = zeros
    tail_rb = patv[pl.ds(240, 16)]
    izp = lax.shift_right_arithmetic(plsc.bitcast(tail_rb, jnp.int32), 31)
    lanes = lax.iota(jnp.int32, 16)

    def transpose_body(col, acc):
        return jnp.maximum(acc,
                           plsc.load_gather(patv, [lanes * 16 + col + izp]))

    acc = lax.fori_loop(0, 16, transpose_body,
                        jnp.zeros((16,), jnp.float32))
    accb[...] = acc
    acc_rb = accb[...]
    iza = lax.shift_right_arithmetic(plsc.bitcast(acc_rb, jnp.int32), 31)

    def expand_body(pw, carry):
        sl = pl.ds(pw * 16, 16)
        splat = plsc.load_gather(accb, [iza + pw])
        outv = jnp.where((splat > 0.0) & (visb_all[u, sl] > 0.0),
                         ones, zeros)
        for r in range(16):
            outb[r, sl] = outv
        return carry

    lax.fori_loop(0, 14, expand_body, 0)
    d1 = pltpu.make_async_copy(outb, o_hbm.at[pl.ds(row0, 16)], sem)
    d2 = pltpu.make_async_copy(outb, o_hbm.at[pl.ds(row0 + 224, 16)], sem)
    d1.start(); d2.start()
    d1.wait(); d2.wait()


def _sc_forward(x_rows, first_b, n_samp):
    n_units = n_samp * 112
    per_w = n_units // 32
    mesh = plsc.VectorSubcoreMesh(core_axis_name="c", subcore_axis_name="s")

    vis3 = np.ascontiguousarray(
        _VIS_ROWS[first_b * 112:(first_b + n_samp) * 112]
        .reshape(32, per_w, 224))
    scratch = [
        pltpu.VMEM((16, 224), jnp.float32),
        pltpu.VMEM((16, 224), jnp.float32),
        pltpu.VMEM((per_w, 224), jnp.float32),
        pltpu.VMEM((16, 224), jnp.float32),
        pltpu.VMEM((256,), jnp.float32),
        pltpu.VMEM((16,), jnp.float32),
        pltpu.SemaphoreType.DMA,
    ]

    @functools.partial(
        pl.kernel, mesh=mesh,
        out_type=jax.ShapeDtypeStruct(x_rows.shape, jnp.float32),
        scratch_types=scratch,
        compiler_params=pltpu.CompilerParams(needs_layout_passes=False),
    )
    def sc_k(x_hbm, vis_hbm, o_hbm, in0, in1, visb_all, outb, patv, accb,
             sem):
        wid = lax.axis_index("s") * 2 + lax.axis_index("c")
        cpv = pltpu.make_async_copy(vis_hbm.at[wid], visb_all, sem)
        cpv.start()
        cpv.wait()

        def body(u, carry):
            _sc_unit_body(x_hbm, o_hbm, in0, in1, visb_all, outb,
                          patv, accb, sem, wid * per_w + u, u)
            return carry

        lax.fori_loop(0, per_w, body, 0)

    return sc_k(x_rows, jnp.asarray(vis3))


def _sc_kernel(img_mask, first_b=0, n_samp=_BATCH):
    x = img_mask.reshape(_BATCH, 16, 224, 224)
    xs = x[first_b:first_b + n_samp].reshape(n_samp * 16 * 224, 224)
    out = _sc_forward(xs, first_b, n_samp)
    return out.reshape(n_samp, 16, 224, 224)


def _tc_forward(x, first_b, n_samp):
    vis = jnp.asarray(_VIS_T[first_b:first_b + n_samp])
    return pl.pallas_call(
        _mask_kernel,
        grid=(n_samp, 8 // _N_PD),
        in_specs=[
            pl.BlockSpec((1, 2 * _N_PD, 224, 224), lambda b, p: (b, p, 0, 0)),
            pl.BlockSpec((1, 1, 14, _N_PD, 14),
                         lambda b, p: (b, p, 0, 0, 0)),
        ],
        out_specs=pl.BlockSpec((1, 2 * _N_PD, 224, 224),
                               lambda b, p: (b, p, 0, 0)),
        out_shape=jax.ShapeDtypeStruct((n_samp, 16, 224, 224), jnp.float32),
        compiler_params=pltpu.CompilerParams(
            dimension_semantics=("parallel", "parallel")),
    )(x, vis)


_N_SC = 2


def kernel(img_mask):
    x = img_mask.reshape(_BATCH, 16, 224, 224)
    xs = x[6:].reshape(2 * 16 * 224, 224)
    return _sc_forward(xs, 6, 2).reshape(2, 16, 224, 224)


def _hybrid_kernel(img_mask):
    x = img_mask.reshape(_BATCH, 16, 224, 224)
    n_tc = _BATCH - _N_SC
    out_tc = _tc_forward(x[:n_tc], 0, n_tc)
    xs = x[n_tc:].reshape(_N_SC * 16 * 224, 224)
    out_sc = _sc_forward(xs, n_tc, _N_SC).reshape(_N_SC, 16, 224, 224)
    return jnp.concatenate([out_tc, out_sc], axis=0)

# --- scband reference (transcript-rebuilt; emitter-appended) ---
"""Pipeline reference for scband-block-masking-3393024164243 (READ-ONLY COPY).

The authoritative reference and input builder live on the scoring server;
editing this copy changes nothing except your own understanding.
"""

import jax, jax.numpy as jnp
import numpy as np

IMG_SIZE = (16, 224, 224)
PATCH = (2, 16, 16)
GRID = (8, 14, 14)
MASK_RATIO = 0.75
BLOCK = (2, 2, 2)
MAX_BLOCK_ATTEMPTS = 1000


def patchify(x):
    b = x.shape[0]
    gd, gh, gw = GRID
    pd, ph, pw = PATCH
    x = x.reshape(b, 1, gd, pd, gh, ph, gw, pw)
    x = jnp.transpose(x, (0, 2, 4, 6, 3, 5, 7, 1))
    return x.reshape(b, gd * gh * gw, pd * ph * pw)


def unpatchify(p):
    b = p.shape[0]
    gd, gh, gw = GRID
    pd, ph, pw = PATCH
    x = p.reshape(b, gd, gh, gw, pd, ph, pw, 1)
    x = jnp.transpose(x, (0, 7, 1, 4, 2, 5, 3, 6))
    return x.reshape(b, 1, gd * pd, gh * ph, gw * pw)


def _sample_block_mask(valid_grid, num_masked, rng):
    masked = np.zeros_like(valid_grid, dtype=bool)
    if num_masked <= 0:
        return masked
    max_starts = tuple(d - s + 1 for d, s in zip(GRID, BLOCK))
    masked_count = 0
    if all(m > 0 for m in max_starts):
        for _ in range(MAX_BLOCK_ATTEMPTS):
            remaining = num_masked - masked_count
            if remaining <= 0:
                break
            starts = [int(rng.integers(m)) for m in max_starts]
            sl = tuple(slice(s, s + k) for s, k in zip(starts, BLOCK))
            avail = valid_grid[sl] & ~masked[sl]
            num_new = int(avail.sum())
            if num_new == 0 or num_new > remaining:
                continue
            masked[sl] |= avail
            masked_count += num_new
    remaining = num_masked - masked_count
    if remaining > 0:
        avail_ids = np.flatnonzero(valid_grid & ~masked)
        if remaining > avail_ids.size:
            raise ValueError('cannot mask enough patches')
        order = rng.permutation(avail_ids.size)
        flat = masked.reshape(-1)
        flat[avail_ids[order[:remaining]]] = True
        masked = flat.reshape(masked.shape)
    return masked


def _visible_mask(valid_np):
    counts = valid_np.sum(axis=1)
    len_keep = int((1.0 - MASK_RATIO) * counts.min())
    rng = np.random.default_rng(0)
    masked = np.zeros_like(valid_np, dtype=bool)
    for b in range(valid_np.shape[0]):
        nm = int(counts[b]) - len_keep
        masked[b] = _sample_block_mask(valid_np[b].reshape(GRID), nm, rng).reshape(-1)
    return valid_np & ~masked


def setup_inputs() -> dict:
    img_mask = jnp.ones((8, 1) + IMG_SIZE, dtype=jnp.float32)
    return {"img_mask": img_mask}


def reference(img_mask):
    mask_patches = patchify(img_mask)
    valid = jnp.any(mask_patches != 0, axis=-1)
    valid_static = np.ones((mask_patches.shape[0], mask_patches.shape[1]), dtype=bool)
    visible = _visible_mask(valid_static)
    vis = (jnp.asarray(visible) & valid).astype(mask_patches.dtype)
    mp = vis[:, :, None] * jnp.ones_like(mask_patches)
    mask = unpatchify(mp)[:, 0]
    return mask

if __name__ == "__main__":
    import jax
    _d = setup_inputs()
    print(jax.jit(kernel)(*tuple(_d.values())))

</pallas_src>

<mosaic_0001>
#map = affine_map<(d0, d1) -> (0, 0)>
#map1 = affine_map<(d0, d1) -> (0, 0, 0)>
module attributes {stable_mosaic.version = 14 : i64} {
  func.func @sc_k(%arg0: i32, %arg1: i32, %arg2: memref<7168x224xf32, #tpu.memory_space<hbm>>, %arg3: memref<32x7x224xf32, #tpu.memory_space<hbm>>, %arg4: memref<7168x224xf32, #tpu.memory_space<hbm>>, %arg5: memref<16x224xf32, #tpu.memory_space<vmem>>, %arg6: memref<16x224xf32, #tpu.memory_space<vmem>>, %arg7: memref<7x224xf32, #tpu.memory_space<vmem>>, %arg8: memref<16x224xf32, #tpu.memory_space<vmem>>, %arg9: memref<256xf32, #tpu.memory_space<vmem>>, %arg10: memref<16xf32, #tpu.memory_space<vmem>>, %arg11: memref<!tpu.dma_semaphore, #tpu.memory_space<semaphore_mem>>) attributes {dimension_semantics = [#tpu.dimension_semantics<core_parallel>, #tpu.dimension_semantics<subcore_parallel>], iteration_bounds = array<i64: 2, 16>, scalar_prefetch = 0 : i64, scratch_operands = 7 : i64, tpu.core_type = #tpu.core_type<sc_vector_subcore>, window_params = [{transform_indices = #map}, {transform_indices = #map1}, {transform_indices = #map}]} {
    %mul3A = arith.constant 2 : i32
    %mul3A_0 = arith.muli %arg1, %mul3A : i32
    %add3A = arith.addi %mul3A_0, %arg0 : i32
    %dma_start3A = arith.constant 0 : i32
    %dma_start3A_1 = arith.constant 0 : i32
    %dma_start3A_2 = tpu.memref_slice %arg3[%add3A, %dma_start3A, %dma_start3A_1] : memref<32x7x224xf32, #tpu.memory_space<hbm>> -> memref<1x7x224xf32, #tpu.memory_space<hbm>>
    %dma_start3A_3 = tpu.memref_squeeze %dma_start3A_2 : memref<1x7x224xf32, #tpu.memory_space<hbm>> -> memref<7x224xf32, #tpu.memory_space<hbm>>
    %dma_start3A_4 = arith.constant 0 : i32
    %dma_start3A_5 = arith.constant 0 : i32
    %dma_start3A_6 = tpu.memref_slice %arg3[%add3A, %dma_start3A_4, %dma_start3A_5] : memref<32x7x224xf32, #tpu.memory_space<hbm>> -> memref<1x7x224xf32, #tpu.memory_space<hbm>>
    %dma_start3A_7 = tpu.memref_squeeze %dma_start3A_6 : memref<1x7x224xf32, #tpu.memory_space<hbm>> -> memref<7x224xf32, #tpu.memory_space<hbm>>
    tpu.enqueue_dma source(%dma_start3A_7 : memref<7x224xf32, #tpu.memory_space<hbm>>) target(%arg7 : memref<7x224xf32, #tpu.memory_space<vmem>>) target_semaphore(%arg11 : memref<!tpu.dma_semaphore, #tpu.memory_space<semaphore_mem>>)
    %dma_wait3A = arith.constant 0 : i32
    %dma_wait3A_8 = arith.constant 0 : i32
    %dma_wait3A_9 = tpu.memref_slice %arg3[%add3A, %dma_wait3A, %dma_wait3A_8] : memref<32x7x224xf32, #tpu.memory_space<hbm>> -> memref<1x7x224xf32, #tpu.memory_space<hbm>>
    %dma_wait3A_10 = tpu.memref_squeeze %dma_wait3A_9 : memref<1x7x224xf32, #tpu.memory_space<hbm>> -> memref<7x224xf32, #tpu.memory_space<hbm>>
    %dma_wait3A_11 = arith.constant 0 : i32
    %dma_wait3A_12 = arith.constant 0 : i32
    %dma_wait3A_13 = tpu.memref_slice %arg3[%add3A, %dma_wait3A_11, %dma_wait3A_12] : memref<32x7x224xf32, #tpu.memory_space<hbm>> -> memref<1x7x224xf32, #tpu.memory_space<hbm>>
    %dma_wait3A_14 = tpu.memref_squeeze %dma_wait3A_13 : memref<1x7x224xf32, #tpu.memory_space<hbm>> -> memref<7x224xf32, #tpu.memory_space<hbm>>
    tpu.wait_dma2 semaphore(%arg11 : memref<!tpu.dma_semaphore, #tpu.memory_space<semaphore_mem>>) src(%dma_wait3A_14 : memref<7x224xf32, #tpu.memory_space<hbm>>) dst(%arg7 : memref<7x224xf32, #tpu.memory_space<vmem>>)
    %scan3A = arith.constant 0 : i32
    %scan3A_15 = arith.constant 0 : i32
    %scan3A_16 = arith.constant 7 : i32
    %scan3A_17 = arith.addi %scan3A_15, %scan3A_16 : i32
    %scan3A_18 = arith.constant 1 : i32
    scf.for %scan3A_20 = %scan3A_15 to %scan3A_17 step %scan3A_18  : i32 {
      %mul3A_21 = arith.constant 7 : i32
      %mul3A_22 = arith.muli %add3A, %mul3A_21 : i32
      %add3A_23 = arith.addi %mul3A_22, %scan3A_20 : i32
      %jit3A = arith.constant 112 : i32
      %div3A = arith.divsi %add3A_23, %jit3A : i32
      %sign3A = arith.constant 0 : i32
      %sign3A_24 = arith.cmpi sgt, %add3A_23, %sign3A : i32
      %sign3A_25 = arith.extui %sign3A_24 : i1 to i32
      %sign3A_26 = arith.constant 0 : i32
      %sign3A_27 = arith.cmpi slt, %add3A_23, %sign3A_26 : i32
      %sign3A_28 = arith.extui %sign3A_27 : i1 to i32
      %sign3A_29 = arith.subi %sign3A_25, %sign3A_28 : i32
      %sign3A_30 = arith.constant 0 : i32
      %sign3A_31 = arith.cmpi sgt, %jit3A, %sign3A_30 : i32
      %sign3A_32 = arith.extui %sign3A_31 : i1 to i32
      %sign3A_33 = arith.constant 0 : i32
      %sign3A_34 = arith.cmpi slt, %jit3A, %sign3A_33 : i32
      %sign3A_35 = arith.extui %sign3A_34 : i1 to i32
      %sign3A_36 = arith.subi %sign3A_32, %sign3A_35 : i32
      %ne3A = arith.cmpi ne, %sign3A_29, %sign3A_36 : i32
      %rem3A = arith.remsi %add3A_23, %jit3A : i32
      %ne3A_37 = arith.constant 0 : i32
      %ne3A_38 = arith.cmpi ne, %rem3A, %ne3A_37 : i32
      %and3A = arith.andi %ne3A, %ne3A_38 : i1
      %sub3A = arith.constant 1 : i32
      %sub3A_39 = arith.subi %div3A, %sub3A : i32
      %select_n3A = arith.select %and3A, %sub3A_39, %div3A : i32
      %mul3A_40 = arith.constant 112 : i32
      %mul3A_41 = arith.muli %select_n3A, %mul3A_40 : i32
      %sub3A_42 = arith.subi %add3A_23, %mul3A_41 : i32
      %jit3A_43 = arith.constant 14 : i32
      %div3A_44 = arith.divsi %sub3A_42, %jit3A_43 : i32
      %sign3A_45 = arith.constant 0 : i32
      %sign3A_46 = arith.cmpi sgt, %sub3A_42, %sign3A_45 : i32
      %sign3A_47 = arith.extui %sign3A_46 : i1 to i32
      %sign3A_48 = arith.constant 0 : i32
      %sign3A_49 = arith.cmpi slt, %sub3A_42, %sign3A_48 : i32
      %sign3A_50 = arith.extui %sign3A_49 : i1 to i32
      %sign3A_51 = arith.subi %sign3A_47, %sign3A_50 : i32
      %sign3A_52 = arith.constant 0 : i32
      %sign3A_53 = arith.cmpi sgt, %jit3A_43, %sign3A_52 : i32
      %sign3A_54 = arith.extui %sign3A_53 : i1 to i32
      %sign3A_55 = arith.constant 0 : i32
      %sign3A_56 = arith.cmpi slt, %jit3A_43, %sign3A_55 : i32
      %sign3A_57 = arith.extui %sign3A_56 : i1 to i32
      %sign3A_58 = arith.subi %sign3A_54, %sign3A_57 : i32
      %ne3A_59 = arith.cmpi ne, %sign3A_51, %sign3A_58 : i32
      %rem3A_60 = arith.remsi %sub3A_42, %jit3A_43 : i32
      %ne3A_61 = arith.constant 0 : i32
      %ne3A_62 = arith.cmpi ne, %rem3A_60, %ne3A_61 : i32
      %and3A_63 = arith.andi %ne3A_59, %ne3A_62 : i1
      %sub3A_64 = arith.constant 1 : i32
      %sub3A_65 = arith.subi %div3A_44, %sub3A_64 : i32
      %select_n3A_66 = arith.select %and3A_63, %sub3A_65, %div3A_44 : i32
      %mul3A_67 = arith.constant 14 : i32
      %mul3A_68 = arith.muli %select_n3A_66, %mul3A_67 : i32
      %sub3A_69 = arith.subi %sub3A_42, %mul3A_68 : i32
      %mul3A_70 = arith.constant 16 : i32
      %mul3A_71 = arith.muli %select_n3A, %mul3A_70 : i32
      %mul3A_72 = arith.constant 2 : i32
      %mul3A_73 = arith.muli %mul3A_72, %select_n3A_66 : i32
      %add3A_74 = arith.addi %mul3A_71, %mul3A_73 : i32
      %mul3A_75 = arith.constant 224 : i32
      %mul3A_76 = arith.muli %add3A_74, %mul3A_75 : i32
      %mul3A_77 = arith.constant 16 : i32
      %mul3A_78 = arith.muli %mul3A_77, %sub3A_69 : i32
      %add3A_79 = arith.addi %mul3A_76, %mul3A_78 : i32
      %add3A_80 = arith.constant 224 : i32
      %add3A_81 = arith.addi %add3A_79, %add3A_80 : i32
      %dma_start3A_82 = arith.constant 0 : i32
      %dma_start3A_83 = tpu.memref_slice %arg2[%add3A_79, %dma_start3A_82] : memref<7168x224xf32, #tpu.memory_space<hbm>> -> memref<16x224xf32, #tpu.memory_space<hbm>>
      %dma_start3A_84 = arith.constant 0 : i32
      %dma_start3A_85 = tpu.memref_slice %arg2[%add3A_79, %dma_start3A_84] : memref<7168x224xf32, #tpu.memory_space<hbm>> -> memref<16x224xf32, #tpu.memory_space<hbm>>
      tpu.enqueue_dma source(%dma_start3A_85 : memref<16x224xf32, #tpu.memory_space<hbm>>) target(%arg5 : memref<16x224xf32, #tpu.memory_space<vmem>>) target_semaphore(%arg11 : memref<!tpu.dma_semaphore, #tpu.memory_space<semaphore_mem>>)
      %dma_start3A_86 = arith.constant 0 : i32
      %dma_start3A_87 = tpu.memref_slice %arg2[%add3A_81, %dma_start3A_86] : memref<7168x224xf32, #tpu.memory_space<hbm>> -> memref<16x224xf32, #tpu.memory_space<hbm>>
      %dma_start3A_88 = arith.constant 0 : i32
      %dma_start3A_89 = tpu.memref_slice %arg2[%add3A_81, %dma_start3A_88] : memref<7168x224xf32, #tpu.memory_space<hbm>> -> memref<16x224xf32, #tpu.memory_space<hbm>>
      tpu.enqueue_dma source(%dma_start3A_89 : memref<16x224xf32, #tpu.memory_space<hbm>>) target(%arg6 : memref<16x224xf32, #tpu.memory_space<vmem>>) target_semaphore(%arg11 : memref<!tpu.dma_semaphore, #tpu.memory_space<semaphore_mem>>)
      %dma_wait3A_90 = arith.constant 0 : i32
      %dma_wait3A_91 = tpu.memref_slice %arg2[%add3A_79, %dma_wait3A_90] : memref<7168x224xf32, #tpu.memory_space<hbm>> -> memref<16x224xf32, #tpu.memory_space<hbm>>
      %dma_wait3A_92 = arith.constant 0 : i32
      %dma_wait3A_93 = tpu.memref_slice %arg2[%add3A_79, %dma_wait3A_92] : memref<7168x224xf32, #tpu.memory_space<hbm>> -> memref<16x224xf32, #tpu.memory_space<hbm>>
      tpu.wait_dma2 semaphore(%arg11 : memref<!tpu.dma_semaphore, #tpu.memory_space<semaphore_mem>>) src(%dma_wait3A_93 : memref<16x224xf32, #tpu.memory_space<hbm>>) dst(%arg5 : memref<16x224xf32, #tpu.memory_space<vmem>>)
      %dma_wait3A_94 = arith.constant 0 : i32
      %dma_wait3A_95 = tpu.memref_slice %arg2[%add3A_81, %dma_wait3A_94] : memref<7168x224xf32, #tpu.memory_space<hbm>> -> memref<16x224xf32, #tpu.memory_space<hbm>>
      %dma_wait3A_96 = arith.constant 0 : i32
      %dma_wait3A_97 = tpu.memref_slice %arg2[%add3A_81, %dma_wait3A_96] : memref<7168x224xf32, #tpu.memory_space<hbm>> -> memref<16x224xf32, #tpu.memory_space<hbm>>
      tpu.wait_dma2 semaphore(%arg11 : memref<!tpu.dma_semaphore, #tpu.memory_space<semaphore_mem>>) src(%dma_wait3A_97 : memref<16x224xf32, #tpu.memory_space<hbm>>) dst(%arg6 : memref<16x224xf32, #tpu.memory_space<vmem>>)
      %broadcast_in_dim3A = arith.constant 0.000000e+00 : f32
      %broadcast_in_dim3A_98 = vector.broadcast %broadcast_in_dim3A : f32 to vector<16xf32>
      %broadcast_in_dim3A_99 = arith.constant 1.000000e+00 : f32
      %broadcast_in_dim3A_100 = vector.broadcast %broadcast_in_dim3A_99 : f32 to vector<16xf32>
      %scan3A_101 = arith.constant 0 : i32
      %scan3A_102 = arith.constant 0 : i32
      %scan3A_103 = arith.constant 14 : i32
      %scan3A_104 = arith.addi %scan3A_102, %scan3A_103 : i32
      %scan3A_105 = arith.constant 1 : i32
      scf.for %scan3A_153 = %scan3A_102 to %scan3A_104 step %scan3A_105  : i32 {
        %mul3A_154 = arith.constant 16 : i32
        %mul3A_155 = arith.muli %scan3A_153, %mul3A_154 : i32
        %get3A_156 = arith.constant 0 : i32
        %get3A_157 = arith.index_cast %get3A_156 : i32 to index
        %get3A_158 = arith.index_cast %mul3A_155 : i32 to index
        %get3A_159 = tpu.vector_load %arg5[%get3A_157, %get3A_158] {strides = array<i32>} : memref<16x224xf32, #tpu.memory_space<vmem>>, vector<16xf32>,
        %ne3A_160 = arith.constant 0.000000e+00 : f32
        %ne3A_161 = vector.broadcast %ne3A_160 : f32 to vector<16xf32>
        %ne3A_162 = arith.cmpf one, %get3A_159, %ne3A_161 : vector<16xf32>
        %get3A_163 = arith.constant 1 : i32
        %get3A_164 = arith.index_cast %get3A_163 : i32 to index
        %get3A_165 = arith.index_cast %mul3A_155 : i32 to index
        %get3A_166 = tpu.vector_load %arg5[%get3A_164, %get3A_165] {strides = array<i32>} : memref<16x224xf32, #tpu.memory_space<vmem>>, vector<16xf32>,
        %ne3A_167 = arith.constant 0.000000e+00 : f32
        %ne3A_168 = vector.broadcast %ne3A_167 : f32 to vector<16xf32>
        %ne3A_169 = arith.cmpf one, %get3A_166, %ne3A_168 : vector<16xf32>
        %or3A = arith.ori %ne3A_162, %ne3A_169 : vector<16xi1>
        %get3A_170 = arith.constant 2 : i32
        %get3A_171 = arith.index_cast %get3A_170 : i32 to index
        %get3A_172 = arith.index_cast %mul3A_155 : i32 to index
        %get3A_173 = tpu.vector_load %arg5[%get3A_171, %get3A_172] {strides = array<i32>} : memref<16x224xf32, #tpu.memory_space<vmem>>, vector<16xf32>,
        %ne3A_174 = arith.constant 0.000000e+00 : f32
        %ne3A_175 = vector.broadcast %ne3A_174 : f32 to vector<16xf32>
        %ne3A_176 = arith.cmpf one, %get3A_173, %ne3A_175 : vector<16xf32>
        %or3A_177 = arith.ori %or3A, %ne3A_176 : vector<16xi1>
        %get3A_178 = arith.constant 3 : i32
        %get3A_179 = arith.index_cast %get3A_178 : i32 to index
        %get3A_180 = arith.index_cast %mul3A_155 : i32 to index
        %get3A_181 = tpu.vector_load %arg5[%get3A_179, %get3A_180] {strides = array<i32>} : memref<16x224xf32, #tpu.memory_space<vmem>>, vector<16xf32>,
        %ne3A_182 = arith.constant 0.000000e+00 : f32
        %ne3A_183 = vector.broadcast %ne3A_182 : f32 to vector<16xf32>
        %ne3A_184 = arith.cmpf one, %get3A_181, %ne3A_183 : vector<16xf32>
        %or3A_185 = arith.ori %or3A_177, %ne3A_184 : vector<16xi1>
        %get3A_186 = arith.constant 4 : i32
        %get3A_187 = arith.index_cast %get3A_186 : i32 to index
        %get3A_188 = arith.index_cast %mul3A_155 : i32 to index
        %get3A_189 = tpu.vector_load %arg5[%get3A_187, %get3A_188] {strides = array<i32>} : memref<16x224xf32, #tpu.memory_space<vmem>>, vector<16xf32>,
        %ne3A_190 = arith.constant 0.000000e+00 : f32
        %ne3A_191 = vector.broadcast %ne3A_190 : f32 to vector<16xf32>
        %ne3A_192 = arith.cmpf one, %get3A_189, %ne3A_191 : vector<16xf32>
        %or3A_193 = arith.ori %or3A_185, %ne3A_192 : vector<16xi1>
        %get3A_194 = arith.constant 5 : i32
        %get3A_195 = arith.index_cast %get3A_194 : i32 to index
        %get3A_196 = arith.index_cast %mul3A_155 : i32 to index
        %get3A_197 = tpu.vector_load %arg5[%get3A_195, %get3A_196] {strides = array<i32>} : memref<16x224xf32, #tpu.memory_space<vmem>>, vector<16xf32>,
        %ne3A_198 = arith.constant 0.000000e+00 : f32
        %ne3A_199 = vector.broadcast %ne3A_198 : f32 to vector<16xf32>
        %ne3A_200 = arith.cmpf one, %get3A_197, %ne3A_199 : vector<16xf32>
        %or3A_201 = arith.ori %or3A_193, %ne3A_200 : vector<16xi1>
        %get3A_202 = arith.constant 6 : i32
        %get3A_203 = arith.index_cast %get3A_202 : i32 to index
        %get3A_204 = arith.index_cast %mul3A_155 : i32 to index
        %get3A_205 = tpu.vector_load %arg5[%get3A_203, %get3A_204] {strides = array<i32>} : memref<16x224xf32, #tpu.memory_space<vmem>>, vector<16xf32>,
        %ne3A_206 = arith.constant 0.000000e+00 : f32
        %ne3A_207 = vector.broadcast %ne3A_206 : f32 to vector<16xf32>
        %ne3A_208 = arith.cmpf one, %get3A_205, %ne3A_207 : vector<16xf32>
        %or3A_209 = arith.ori %or3A_201, %ne3A_208 : vector<16xi1>
        %get3A_210 = arith.constant 7 : i32
        %get3A_211 = arith.index_cast %get3A_210 : i32 to index
        %get3A_212 = arith.index_cast %mul3A_155 : i32 to index
        %get3A_213 = tpu.vector_load %arg5[%get3A_211, %get3A_212] {strides = array<i32>} : memref<16x224xf32, #tpu.memory_space<vmem>>, vector<16xf32>,
        %ne3A_214 = arith.constant 0.000000e+00 : f32
        %ne3A_215 = vector.broadcast %ne3A_214 : f32 to vector<16xf32>
        %ne3A_216 = arith.cmpf one, %get3A_213, %ne3A_215 : vector<16xf32>
        %or3A_217 = arith.ori %or3A_209, %ne3A_216 : vector<16xi1>
        %get3A_218 = arith.constant 8 : i32
        %get3A_219 = arith.index_cast %get3A_218 : i32 to index
        %get3A_220 = arith.index_cast %mul3A_155 : i32 to index
        %get3A_221 = tpu.vector_load %arg5[%get3A_219, %get3A_220] {strides = array<i32>} : memref<16x224xf32, #tpu.memory_space<vmem>>, vector<16xf32>,
        %ne3A_222 = arith.constant 0.000000e+00 : f32
        %ne3A_223 = vector.broadcast %ne3A_222 : f32 to vector<16xf32>
        %ne3A_224 = arith.cmpf one, %get3A_221, %ne3A_223 : vector<16xf32>
        %or3A_225 = arith.ori %or3A_217, %ne3A_224 : vector<16xi1>
        %get3A_226 = arith.constant 9 : i32
        %get3A_227 = arith.index_cast %get3A_226 : i32 to index
        %get3A_228 = arith.index_cast %mul3A_155 : i32 to index
        %get3A_229 = tpu.vector_load %arg5[%get3A_227, %get3A_228] {strides = array<i32>} : memref<16x224xf32, #tpu.memory_space<vmem>>, vector<16xf32>,
        %ne3A_230 = arith.constant 0.000000e+00 : f32
        %ne3A_231 = vector.broadcast %ne3A_230 : f32 to vector<16xf32>
        %ne3A_232 = arith.cmpf one, %get3A_229, %ne3A_231 : vector<16xf32>
        %or3A_233 = arith.ori %or3A_225, %ne3A_232 : vector<16xi1>
        %get3A_234 = arith.constant 10 : i32
        %get3A_235 = arith.index_cast %get3A_234 : i32 to index
        %get3A_236 = arith.index_cast %mul3A_155 : i32 to index
        %get3A_237 = tpu.vector_load %arg5[%get3A_235, %get3A_236] {strides = array<i32>} : memref<16x224xf32, #tpu.memory_space<vmem>>, vector<16xf32>,
        %ne3A_238 = arith.constant 0.000000e+00 : f32
        %ne3A_239 = vector.broadcast %ne3A_238 : f32 to vector<16xf32>
        %ne3A_240 = arith.cmpf one, %get3A_237, %ne3A_239 : vector<16xf32>
        %or3A_241 = arith.ori %or3A_233, %ne3A_240 : vector<16xi1>
        %get3A_242 = arith.constant 11 : i32
        %get3A_243 = arith.index_cast %get3A_242 : i32 to index
        %get3A_244 = arith.index_cast %mul3A_155 : i32 to index
        %get3A_245 = tpu.vector_load %arg5[%get3A_243, %get3A_244] {strides = array<i32>} : memref<16x224xf32, #tpu.memory_space<vmem>>, vector<16xf32>,
        %ne3A_246 = arith.constant 0.000000e+00 : f32
        %ne3A_247 = vector.broadcast %ne3A_246 : f32 to vector<16xf32>
        %ne3A_248 = arith.cmpf one, %get3A_245, %ne3A_247 : vector<16xf32>
        %or3A_249 = arith.ori %or3A_241, %ne3A_248 : vector<16xi1>
        %get3A_250 = arith.constant 12 : i32
        %get3A_251 = arith.index_cast %get3A_250 : i32 to index
        %get3A_252 = arith.index_cast %mul3A_155 : i32 to index
        %get3A_253 = tpu.vector_load %arg5[%get3A_251, %get3A_252] {strides = array<i32>} : memref<16x224xf32, #tpu.memory_space<vmem>>, vector<16xf32>,
        %ne3A_254 = arith.constant 0.000000e+00 : f32
        %ne3A_255 = vector.broadcast %ne3A_254 : f32 to vector<16xf32>
        %ne3A_256 = arith.cmpf one, %get3A_253, %ne3A_255 : vector<16xf32>
        %or3A_257 = arith.ori %or3A_249, %ne3A_256 : vector<16xi1>
        %get3A_258 = arith.constant 13 : i32
        %get3A_259 = arith.index_cast %get3A_258 : i32 to index
        %get3A_260 = arith.index_cast %mul3A_155 : i32 to index
        %get3A_261 = tpu.vector_load %arg5[%get3A_259, %get3A_260] {strides = array<i32>} : memref<16x224xf32, #tpu.memory_space<vmem>>, vector<16xf32>,
        %ne3A_262 = arith.constant 0.000000e+00 : f32
        %ne3A_263 = vector.broadcast %ne3A_262 : f32 to vector<16xf32>
        %ne3A_264 = arith.cmpf one, %get3A_261, %ne3A_263 : vector<16xf32>
        %or3A_265 = arith.ori %or3A_257, %ne3A_264 : vector<16xi1>
        %get3A_266 = arith.constant 14 : i32
        %get3A_267 = arith.index_cast %get3A_266 : i32 to index
        %get3A_268 = arith.index_cast %mul3A_155 : i32 to index
        %get3A_269 = tpu.vector_load %arg5[%get3A_267, %get3A_268] {strides = array<i32>} : memref<16x224xf32, #tpu.memory_space<vmem>>, vector<16xf32>,
        %ne3A_270 = arith.constant 0.000000e+00 : f32
        %ne3A_271 = vector.broadcast %ne3A_270 : f32 to vector<16xf32>
        %ne3A_272 = arith.cmpf one, %get3A_269, %ne3A_271 : vector<16xf32>
        %or3A_273 = arith.ori %or3A_265, %ne3A_272 : vector<16xi1>
        %get3A_274 = arith.constant 15 : i32
        %get3A_275 = arith.index_cast %get3A_274 : i32 to index
        %get3A_276 = arith.index_cast %mul3A_155 : i32 to index
        %get3A_277 = tpu.vector_load %arg5[%get3A_275, %get3A_276] {strides = array<i32>} : memref<16x224xf32, #tpu.memory_space<vmem>>, vector<16xf32>,
        %ne3A_278 = arith.constant 0.000000e+00 : f32
        %ne3A_279 = vector.broadcast %ne3A_278 : f32 to vector<16xf32>
        %ne3A_280 = arith.cmpf one, %get3A_277, %ne3A_279 : vector<16xf32>
        %or3A_281 = arith.ori %or3A_273, %ne3A_280 : vector<16xi1>
        %get3A_282 = arith.constant 0 : i32
        %get3A_283 = arith.index_cast %get3A_282 : i32 to index
        %get3A_284 = arith.index_cast %mul3A_155 : i32 to index
        %get3A_285 = tpu.vector_load %arg6[%get3A_283, %get3A_284] {strides = array<i32>} : memref<16x224xf32, #tpu.memory_space<vmem>>, vector<16xf32>,
        %ne3A_286 = arith.constant 0.000000e+00 : f32
        %ne3A_287 = vector.broadcast %ne3A_286 : f32 to vector<16xf32>
        %ne3A_288 = arith.cmpf one, %get3A_285, %ne3A_287 : vector<16xf32>
        %or3A_289 = arith.ori %or3A_281, %ne3A_288 : vector<16xi1>
        %get3A_290 = arith.constant 1 : i32
        %get3A_291 = arith.index_cast %get3A_290 : i32 to index
        %get3A_292 = arith.index_cast %mul3A_155 : i32 to index
        %get3A_293 = tpu.vector_load %arg6[%get3A_291, %get3A_292] {strides = array<i32>} : memref<16x224xf32, #tpu.memory_space<vmem>>, vector<16xf32>,
        %ne3A_294 = arith.constant 0.000000e+00 : f32
        %ne3A_295 = vector.broadcast %ne3A_294 : f32 to vector<16xf32>
        %ne3A_296 = arith.cmpf one, %get3A_293, %ne3A_295 : vector<16xf32>
        %or3A_297 = arith.ori %or3A_289, %ne3A_296 : vector<16xi1>
        %get3A_298 = arith.constant 2 : i32
        %get3A_299 = arith.index_cast %get3A_298 : i32 to index
        %get3A_300 = arith.index_cast %mul3A_155 : i32 to index
        %get3A_301 = tpu.vector_load %arg6[%get3A_299, %get3A_300] {strides = array<i32>} : memref<16x224xf32, #tpu.memory_space<vmem>>, vector<16xf32>,
        %ne3A_302 = arith.constant 0.000000e+00 : f32
        %ne3A_303 = vector.broadcast %ne3A_302 : f32 to vector<16xf32>
        %ne3A_304 = arith.cmpf one, %get3A_301, %ne3A_303 : vector<16xf32>
        %or3A_305 = arith.ori %or3A_297, %ne3A_304 : vector<16xi1>
        %get3A_306 = arith.constant 3 : i32
        %get3A_307 = arith.index_cast %get3A_306 : i32 to index
        %get3A_308 = arith.index_cast %mul3A_155 : i32 to index
        %get3A_309 = tpu.vector_load %arg6[%get3A_307, %get3A_308] {strides = array<i32>} : memref<16x224xf32, #tpu.memory_space<vmem>>, vector<16xf32>,
        %ne3A_310 = arith.constant 0.000000e+00 : f32
        %ne3A_311 = vector.broadcast %ne3A_310 : f32 to vector<16xf32>
        %ne3A_312 = arith.cmpf one, %get3A_309, %ne3A_311 : vector<16xf32>
        %or3A_313 = arith.ori %or3A_305, %ne3A_312 : vector<16xi1>
        %get3A_314 = arith.constant 4 : i32
        %get3A_315 = arith.index_cast %get3A_314 : i32 to index
        %get3A_316 = arith.index_cast %mul3A_155 : i32 to index
        %get3A_317 = tpu.vector_load %arg6[%get3A_315, %get3A_316] {strides = array<i32>} : memref<16x224xf32, #tpu.memory_space<vmem>>, vector<16xf32>,
        %ne3A_318 = arith.constant 0.000000e+00 : f32
        %ne3A_319 = vector.broadcast %ne3A_318 : f32 to vector<16xf32>
        %ne3A_320 = arith.cmpf one, %get3A_317, %ne3A_319 : vector<16xf32>
        %or3A_321 = arith.ori %or3A_313, %ne3A_320 : vector<16xi1>
        %get3A_322 = arith.constant 5 : i32
        %get3A_323 = arith.index_cast %get3A_322 : i32 to index
        %get3A_324 = arith.index_cast %mul3A_155 : i32 to index
        %get3A_325 = tpu.vector_load %arg6[%get3A_323, %get3A_324] {strides = array<i32>} : memref<16x224xf32, #tpu.memory_space<vmem>>, vector<16xf32>,
        %ne3A_326 = arith.constant 0.000000e+00 : f32
        %ne3A_327 = vector.broadcast %ne3A_326 : f32 to vector<16xf32>
        %ne3A_328 = arith.cmpf one, %get3A_325, %ne3A_327 : vector<16xf32>
        %or3A_329 = arith.ori %or3A_321, %ne3A_328 : vector<16xi1>
        %get3A_330 = arith.constant 6 : i32
        %get3A_331 = arith.index_cast %get3A_330 : i32 to index
        %get3A_332 = arith.index_cast %mul3A_155 : i32 to index
        %get3A_333 = tpu.vector_load %arg6[%get3A_331, %get3A_332] {strides = array<i32>} : memref<16x224xf32, #tpu.memory_space<vmem>>, vector<16xf32>,
        %ne3A_334 = arith.constant 0.000000e+00 : f32
        %ne3A_335 = vector.broadcast %ne3A_334 : f32 to vector<16xf32>
        %ne3A_336 = arith.cmpf one, %get3A_333, %ne3A_335 : vector<16xf32>
        %or3A_337 = arith.ori %or3A_329, %ne3A_336 : vector<16xi1>
        %get3A_338 = arith.constant 7 : i32
        %get3A_339 = arith.index_cast %get3A_338 : i32 to index
        %get3A_340 = arith.index_cast %mul3A_155 : i32 to index
        %get3A_341 = tpu.vector_load %arg6[%get3A_339, %get3A_340] {strides = array<i32>} : memref<16x224xf32, #tpu.memory_space<vmem>>, vector<16xf32>,
        %ne3A_342 = arith.constant 0.000000e+00 : f32
        %ne3A_343 = vector.broadcast %ne3A_342 : f32 to vector<16xf32>
        %ne3A_344 = arith.cmpf one, %get3A_341, %ne3A_343 : vector<16xf32>
        %or3A_345 = arith.ori %or3A_337, %ne3A_344 : vector<16xi1>
        %get3A_346 = arith.constant 8 : i32
        %get3A_347 = arith.index_cast %get3A_346 : i32 to index
        %get3A_348 = arith.index_cast %mul3A_155 : i32 to index
        %get3A_349 = tpu.vector_load %arg6[%get3A_347, %get3A_348] {strides = array<i32>} : memref<16x224xf32, #tpu.memory_space<vmem>>, vector<16xf32>,
        %ne3A_350 = arith.constant 0.000000e+00 : f32
        %ne3A_351 = vector.broadcast %ne3A_350 : f32 to vector<16xf32>
        %ne3A_352 = arith.cmpf one, %get3A_349, %ne3A_351 : vector<16xf32>
        %or3A_353 = arith.ori %or3A_345, %ne3A_352 : vector<16xi1>
        %get3A_354 = arith.constant 9 : i32
        %get3A_355 = arith.index_cast %get3A_354 : i32 to index
        %get3A_356 = arith.index_cast %mul3A_155 : i32 to index
        %get3A_357 = tpu.vector_load %arg6[%get3A_355, %get3A_356] {strides = array<i32>} : memref<16x224xf32, #tpu.memory_space<vmem>>, vector<16xf32>,
        %ne3A_358 = arith.constant 0.000000e+00 : f32
        %ne3A_359 = vector.broadcast %ne3A_358 : f32 to vector<16xf32>
        %ne3A_360 = arith.cmpf one, %get3A_357, %ne3A_359 : vector<16xf32>
        %or3A_361 = arith.ori %or3A_353, %ne3A_360 : vector<16xi1>
        %get3A_362 = arith.constant 10 : i32
        %get3A_363 = arith.index_cast %get3A_362 : i32 to index
        %get3A_364 = arith.index_cast %mul3A_155 : i32 to index
        %get3A_365 = tpu.vector_load %arg6[%get3A_363, %get3A_364] {strides = array<i32>} : memref<16x224xf32, #tpu.memory_space<vmem>>, vector<16xf32>,
        %ne3A_366 = arith.constant 0.000000e+00 : f32
        %ne3A_367 = vector.broadcast %ne3A_366 : f32 to vector<16xf32>
        %ne3A_368 = arith.cmpf one, %get3A_365, %ne3A_367 : vector<16xf32>
        %or3A_369 = arith.ori %or3A_361, %ne3A_368 : vector<16xi1>
        %get3A_370 = arith.constant 11 : i32
        %get3A_371 = arith.index_cast %get3A_370 : i32 to index
        %get3A_372 = arith.index_cast %mul3A_155 : i32 to index
        %get3A_373 = tpu.vector_load %arg6[%get3A_371, %get3A_372] {strides = array<i32>} : memref<16x224xf32, #tpu.memory_space<vmem>>, vector<16xf32>,
        %ne3A_374 = arith.constant 0.000000e+00 : f32
        %ne3A_375 = vector.broadcast %ne3A_374 : f32 to vector<16xf32>
        %ne3A_376 = arith.cmpf one, %get3A_373, %ne3A_375 : vector<16xf32>
        %or3A_377 = arith.ori %or3A_369, %ne3A_376 : vector<16xi1>
        %get3A_378 = arith.constant 12 : i32
        %get3A_379 = arith.index_cast %get3A_378 : i32 to index
        %get3A_380 = arith.index_cast %mul3A_155 : i32 to index
        %get3A_381 = tpu.vector_load %arg6[%get3A_379, %get3A_380] {strides = array<i32>} : memref<16x224xf32, #tpu.memory_space<vmem>>, vector<16xf32>,
        %ne3A_382 = arith.constant 0.000000e+00 : f32
        %ne3A_383 = vector.broadcast %ne3A_382 : f32 to vector<16xf32>
        %ne3A_384 = arith.cmpf one, %get3A_381, %ne3A_383 : vector<16xf32>
        %or3A_385 = arith.ori %or3A_377, %ne3A_384 : vector<16xi1>
        %get3A_386 = arith.constant 13 : i32
        %get3A_387 = arith.index_cast %get3A_386 : i32 to index
        %get3A_388 = arith.index_cast %mul3A_155 : i32 to index
        %get3A_389 = tpu.vector_load %arg6[%get3A_387, %get3A_388] {strides = array<i32>} : memref<16x224xf32, #tpu.memory_space<vmem>>, vector<16xf32>,
        %ne3A_390 = arith.constant 0.000000e+00 : f32
        %ne3A_391 = vector.broadcast %ne3A_390 : f32 to vector<16xf32>
        %ne3A_392 = arith.cmpf one, %get3A_389, %ne3A_391 : vector<16xf32>
        %or3A_393 = arith.ori %or3A_385, %ne3A_392 : vector<16xi1>
        %get3A_394 = arith.constant 14 : i32
        %get3A_395 = arith.index_cast %get3A_394 : i32 to index
        %get3A_396 = arith.index_cast %mul3A_155 : i32 to index
        %get3A_397 = tpu.vector_load %arg6[%get3A_395, %get3A_396] {strides = array<i32>} : memref<16x224xf32, #tpu.memory_space<vmem>>, vector<16xf32>,
        %ne3A_398 = arith.constant 0.000000e+00 : f32
        %ne3A_399 = vector.broadcast %ne3A_398 : f32 to vector<16xf32>
        %ne3A_400 = arith.cmpf one, %get3A_397, %ne3A_399 : vector<16xf32>
        %or3A_401 = arith.ori %or3A_393, %ne3A_400 : vector<16xi1>
        %get3A_402 = arith.constant 15 : i32
        %get3A_403 = arith.index_cast %get3A_402 : i32 to index
        %get3A_404 = arith.index_cast %mul3A_155 : i32 to index
        %get3A_405 = tpu.vector_load %arg6[%get3A_403, %get3A_404] {strides = array<i32>} : memref<16x224xf32, #tpu.memory_space<vmem>>, vector<16xf32>,
        %ne3A_406 = arith.constant 0.000000e+00 : f32
        %ne3A_407 = vector.broadcast %ne3A_406 : f32 to vector<16xf32>
        %ne3A_408 = arith.cmpf one, %get3A_405, %ne3A_407 : vector<16xf32>
        %or3A_409 = arith.ori %or3A_401, %ne3A_408 : vector<16xi1>
        %select_n3A_410 = arith.select %or3A_409, %broadcast_in_dim3A_100, %broadcast_in_dim3A_98 : vector<16xi1>, vector<16xf32>
        %swap3A_411 = arith.index_cast %mul3A_155 : i32 to index
        %swap3A_412 = tpu.vector_load %arg9[%swap3A_411] {strides = array<i32>} : memref<256xf32, #tpu.memory_space<vmem>>, vector<16xf32>,
        tpu.vector_store %arg9[%swap3A_411], %select_n3A_410 {strides = array<i32>} : memref<256xf32, #tpu.memory_space<vmem>>, vector<16xf32>,
      }
      %scan3A_106 = arith.constant 14 : i32
      %swap3A = arith.constant 224 : index
      %swap3A_107 = tpu.vector_load %arg9[%swap3A] {strides = array<i32>} : memref<256xf32, #tpu.memory_space<vmem>>, vector<16xf32>,
      tpu.vector_store %arg9[%swap3A], %broadcast_in_dim3A_98 {strides = array<i32>} : memref<256xf32, #tpu.memory_space<vmem>>, vector<16xf32>,
      %swap3A_108 = arith.constant 240 : index
      %swap3A_109 = tpu.vector_load %arg9[%swap3A_108] {strides = array<i32>} : memref<256xf32, #tpu.memory_space<vmem>>, vector<16xf32>,
      tpu.vector_store %arg9[%swap3A_108], %broadcast_in_dim3A_98 {strides = array<i32>} : memref<256xf32, #tpu.memory_space<vmem>>, vector<16xf32>,
      %get3A = arith.constant 240 : index
      %get3A_110 = tpu.vector_load %arg9[%get3A] {strides = array<i32>} : memref<256xf32, #tpu.memory_space<vmem>>, vector<16xf32>,
      %bitcast3A = vector.bitcast %get3A_110 : vector<16xf32> to vector<16xi32>
      %shift_right_arithmetic3A = arith.constant 31 : i32
      %shift_right_arithmetic3A_111 = vector.broadcast %shift_right_arithmetic3A : i32 to vector<16xi32>
      %shift_right_arithmetic3A_112 = arith.shrsi %bitcast3A, %shift_right_arithmetic3A_111 : vector<16xi32>
      %iota3A = tpu.iota {dimensions = array<i32: 0>} : vector<16xi32>
      %broadcast_in_dim3A_113 = arith.constant 0.000000e+00 : f32
      %broadcast_in_dim3A_114 = vector.broadcast %broadcast_in_dim3A_113 : f32 to vector<16xf32>
      %scan3A_115 = arith.constant 0 : i32
      %scan3A_116 = arith.constant 16 : i32
      %scan3A_117 = arith.addi %scan3A_115, %scan3A_116 : i32
      %scan3A_118 = arith.constant 1 : i32
      %scan3A_119 = scf.for %scan3A_153 = %scan3A_115 to %scan3A_117 step %scan3A_118 iter_args(%scan3A_154 = %broadcast_in_dim3A_114) -> (vector<16xf32>)  : i32 {
        %mul3A_155 = arith.constant 16 : i32
        %mul3A_156 = vector.broadcast %mul3A_155 : i32 to vector<16xi32>
        %mul3A_157 = arith.muli %iota3A, %mul3A_156 : vector<16xi32>
        %add3A_158 = vector.broadcast %scan3A_153 : i32 to vector<16xi32>
        %add3A_159 = arith.addi %mul3A_157, %add3A_158 : vector<16xi32>
        %add3A_160 = arith.addi %add3A_159, %shift_right_arithmetic3A_112 : vector<16xi32>
        %gather3A = tpu.vector_load_idx %arg9[%add3A_160] : memref<256xf32, #tpu.memory_space<vmem>>[vector<16xi32>], vector<16xf32>,
        %max3A = arith.maximumf %scan3A_154, %gather3A : vector<16xf32>
        scf.yield %max3A : vector<16xf32>
      }
      %scan3A_120 = arith.constant 16 : i32
      %swap3A_121 = arith.constant 0 : index
      %swap3A_122 = tpu.vector_load %arg10[%swap3A_121] {strides = array<i32>} : memref<16xf32, #tpu.memory_space<vmem>>, vector<16xf32>,
      tpu.vector_store %arg10[%swap3A_121], %scan3A_119 {strides = array<i32>} : memref<16xf32, #tpu.memory_space<vmem>>, vector<16xf32>,
      %get3A_123 = arith.constant 0 : index
      %get3A_124 = tpu.vector_load %arg10[%get3A_123] {strides = array<i32>} : memref<16xf32, #tpu.memory_space<vmem>>, vector<16xf32>,
      %bitcast3A_125 = vector.bitcast %get3A_124 : vector<16xf32> to vector<16xi32>
      %shift_right_arithmetic3A_126 = arith.constant 31 : i32
      %shift_right_arithmetic3A_127 = vector.broadcast %shift_right_arithmetic3A_126 : i32 to vector<16xi32>
      %shift_right_arithmetic3A_128 = arith.shrsi %bitcast3A_125, %shift_right_arithmetic3A_127 : vector<16xi32>
      %scan3A_129 = arith.constant 0 : i32
      %scan3A_130 = arith.constant 0 : i32
      %scan3A_131 = arith.constant 14 : i32
      %scan3A_132 = arith.addi %scan3A_130, %scan3A_131 : i32
      %scan3A_133 = arith.constant 1 : i32
      scf.for %scan3A_153 = %scan3A_130 to %scan3A_132 step %scan3A_133  : i32 {
        %mul3A_154 = arith.constant 16 : i32
        %mul3A_155 = arith.muli %scan3A_153, %mul3A_154 : i32
        %add3A_156 = vector.broadcast %scan3A_153 : i32 to vector<16xi32>
        %add3A_157 = arith.addi %shift_right_arithmetic3A_128, %add3A_156 : vector<16xi32>
        %gather3A = tpu.vector_load_idx %arg10[%add3A_157] : memref<16xf32, #tpu.memory_space<vmem>>[vector<16xi32>], vector<16xf32>,
        %gt3A = arith.constant 0.000000e+00 : f32
        %gt3A_158 = vector.broadcast %gt3A : f32 to vector<16xf32>
        %gt3A_159 = arith.cmpf ogt, %gather3A, %gt3A_158 : vector<16xf32>
        %get3A_160 = arith.index_cast %scan3A_20 : i32 to index
        %get3A_161 = arith.index_cast %mul3A_155 : i32 to index
        %get3A_162 = tpu.vector_load %arg7[%get3A_160, %get3A_161] {strides = array<i32>} : memref<7x224xf32, #tpu.memory_space<vmem>>, vector<16xf32>,
        %gt3A_163 = arith.constant 0.000000e+00 : f32
        %gt3A_164 = vector.broadcast %gt3A_163 : f32 to vector<16xf32>
        %gt3A_165 = arith.cmpf ogt, %get3A_162, %gt3A_164 : vector<16xf32>
        %and3A_166 = arith.andi %gt3A_159, %gt3A_165 : vector<16xi1>
        %select_n3A_167 = arith.select %and3A_166, %broadcast_in_dim3A_100, %broadcast_in_dim3A_98 : vector<16xi1>, vector<16xf32>
        %swap3A_168 = arith.constant 0 : i32
        %swap3A_169 = arith.index_cast %swap3A_168 : i32 to index
        %swap3A_170 = arith.index_cast %mul3A_155 : i32 to index
        %swap3A_171 = tpu.vector_load %arg8[%swap3A_169, %swap3A_170] {strides = array<i32>} : memref<16x224xf32, #tpu.memory_space<vmem>>, vector<16xf32>,
        tpu.vector_store %arg8[%swap3A_169, %swap3A_170], %select_n3A_167 {strides = array<i32>} : memref<16x224xf32, #tpu.memory_space<vmem>>, vector<16xf32>,
        %swap3A_172 = arith.constant 1 : i32
        %swap3A_173 = arith.index_cast %swap3A_172 : i32 to index
        %swap3A_174 = arith.index_cast %mul3A_155 : i32 to index
        %swap3A_175 = tpu.vector_load %arg8[%swap3A_173, %swap3A_174] {strides = array<i32>} : memref<16x224xf32, #tpu.memory_space<vmem>>, vector<16xf32>,
        tpu.vector_store %arg8[%swap3A_173, %swap3A_174], %select_n3A_167 {strides = array<i32>} : memref<16x224xf32, #tpu.memory_space<vmem>>, vector<16xf32>,
        %swap3A_176 = arith.constant 2 : i32
        %swap3A_177 = arith.index_cast %swap3A_176 : i32 to index
        %swap3A_178 = arith.index_cast %mul3A_155 : i32 to index
        %swap3A_179 = tpu.vector_load %arg8[%swap3A_177, %swap3A_178] {strides = array<i32>} : memref<16x224xf32, #tpu.memory_space<vmem>>, vector<16xf32>,
        tpu.vector_store %arg8[%swap3A_177, %swap3A_178], %select_n3A_167 {strides = array<i32>} : memref<16x224xf32, #tpu.memory_space<vmem>>, vector<16xf32>,
        %swap3A_180 = arith.constant 3 : i32
        %swap3A_181 = arith.index_cast %swap3A_180 : i32 to index
        %swap3A_182 = arith.index_cast %mul3A_155 : i32 to index
        %swap3A_183 = tpu.vector_load %arg8[%swap3A_181, %swap3A_182] {strides = array<i32>} : memref<16x224xf32, #tpu.memory_space<vmem>>, vector<16xf32>,
        tpu.vector_store %arg8[%swap3A_181, %swap3A_182], %select_n3A_167 {strides = array<i32>} : memref<16x224xf32, #tpu.memory_space<vmem>>, vector<16xf32>,
        %swap3A_184 = arith.constant 4 : i32
        %swap3A_185 = arith.index_cast %swap3A_184 : i32 to index
        %swap3A_186 = arith.index_cast %mul3A_155 : i32 to index
        %swap3A_187 = tpu.vector_load %arg8[%swap3A_185, %swap3A_186] {strides = array<i32>} : memref<16x224xf32, #tpu.memory_space<vmem>>, vector<16xf32>,
        tpu.vector_store %arg8[%swap3A_185, %swap3A_186], %select_n3A_167 {strides = array<i32>} : memref<16x224xf32, #tpu.memory_space<vmem>>, vector<16xf32>,
        %swap3A_188 = arith.constant 5 : i32
        %swap3A_189 = arith.index_cast %swap3A_188 : i32 to index
        %swap3A_190 = arith.index_cast %mul3A_155 : i32 to index
        %swap3A_191 = tpu.vector_load %arg8[%swap3A_189, %swap3A_190] {strides = array<i32>} : memref<16x224xf32, #tpu.memory_space<vmem>>, vector<16xf32>,
        tpu.vector_store %arg8[%swap3A_189, %swap3A_190], %select_n3A_167 {strides = array<i32>} : memref<16x224xf32, #tpu.memory_space<vmem>>, vector<16xf32>,
        %swap3A_192 = arith.constant 6 : i32
        %swap3A_193 = arith.index_cast %swap3A_192 : i32 to index
        %swap3A_194 = arith.index_cast %mul3A_155 : i32 to index
        %swap3A_195 = tpu.vector_load %arg8[%swap3A_193, %swap3A_194] {strides = array<i32>} : memref<16x224xf32, #tpu.memory_space<vmem>>, vector<16xf32>,
        tpu.vector_store %arg8[%swap3A_193, %swap3A_194], %select_n3A_167 {strides = array<i32>} : memref<16x224xf32, #tpu.memory_space<vmem>>, vector<16xf32>,
        %swap3A_196 = arith.constant 7 : i32
        %swap3A_197 = arith.index_cast %swap3A_196 : i32 to index
        %swap3A_198 = arith.index_cast %mul3A_155 : i32 to index
        %swap3A_199 = tpu.vector_load %arg8[%swap3A_197, %swap3A_198] {strides = array<i32>} : memref<16x224xf32, #tpu.memory_space<vmem>>, vector<16xf32>,
        tpu.vector_store %arg8[%swap3A_197, %swap3A_198], %select_n3A_167 {strides = array<i32>} : memref<16x224xf32, #tpu.memory_space<vmem>>, vector<16xf32>,
        %swap3A_200 = arith.constant 8 : i32
        %swap3A_201 = arith.index_cast %swap3A_200 : i32 to index
        %swap3A_202 = arith.index_cast %mul3A_155 : i32 to index
        %swap3A_203 = tpu.vector_load %arg8[%swap3A_201, %swap3A_202] {strides = array<i32>} : memref<16x224xf32, #tpu.memory_space<vmem>>, vector<16xf32>,
        tpu.vector_store %arg8[%swap3A_201, %swap3A_202], %select_n3A_167 {strides = array<i32>} : memref<16x224xf32, #tpu.memory_space<vmem>>, vector<16xf32>,
        %swap3A_204 = arith.constant 9 : i32
        %swap3A_205 = arith.index_cast %swap3A_204 : i32 to index
        %swap3A_206 = arith.index_cast %mul3A_155 : i32 to index
        %swap3A_207 = tpu.vector_load %arg8[%swap3A_205, %swap3A_206] {strides = array<i32>} : memref<16x224xf32, #tpu.memory_space<vmem>>, vector<16xf32>,
        tpu.vector_store %arg8[%swap3A_205, %swap3A_206], %select_n3A_167 {strides = array<i32>} : memref<16x224xf32, #tpu.memory_space<vmem>>, vector<16xf32>,
        %swap3A_208 = arith.constant 10 : i32
        %swap3A_209 = arith.index_cast %swap3A_208 : i32 to index
        %swap3A_210 = arith.index_cast %mul3A_155 : i32 to index
        %swap3A_211 = tpu.vector_load %arg8[%swap3A_209, %swap3A_210] {strides = array<i32>} : memref<16x224xf32, #tpu.memory_space<vmem>>, vector<16xf32>,
        tpu.vector_store %arg8[%swap3A_209, %swap3A_210], %select_n3A_167 {strides = array<i32>} : memref<16x224xf32, #tpu.memory_space<vmem>>, vector<16xf32>,
        %swap3A_212 = arith.constant 11 : i32
        %swap3A_213 = arith.index_cast %swap3A_212 : i32 to index
        %swap3A_214 = arith.index_cast %mul3A_155 : i32 to index
        %swap3A_215 = tpu.vector_load %arg8[%swap3A_213, %swap3A_214] {strides = array<i32>} : memref<16x224xf32, #tpu.memory_space<vmem>>, vector<16xf32>,
        tpu.vector_store %arg8[%swap3A_213, %swap3A_214], %select_n3A_167 {strides = array<i32>} : memref<16x224xf32, #tpu.memory_space<vmem>>, vector<16xf32>,
        %swap3A_216 = arith.constant 12 : i32
        %swap3A_217 = arith.index_cast %swap3A_216 : i32 to index
        %swap3A_218 = arith.index_cast %mul3A_155 : i32 to index
        %swap3A_219 = tpu.vector_load %arg8[%swap3A_217, %swap3A_218] {strides = array<i32>} : memref<16x224xf32, #tpu.memory_space<vmem>>, vector<16xf32>,
        tpu.vector_store %arg8[%swap3A_217, %swap3A_218], %select_n3A_167 {strides = array<i32>} : memref<16x224xf32, #tpu.memory_space<vmem>>, vector<16xf32>,
        %swap3A_220 = arith.constant 13 : i32
        %swap3A_221 = arith.index_cast %swap3A_220 : i32 to index
        %swap3A_222 = arith.index_cast %mul3A_155 : i32 to index
        %swap3A_223 = tpu.vector_load %arg8[%swap3A_221, %swap3A_222] {strides = array<i32>} : memref<16x224xf32, #tpu.memory_space<vmem>>, vector<16xf32>,
        tpu.vector_store %arg8[%swap3A_221, %swap3A_222], %select_n3A_167 {strides = array<i32>} : memref<16x224xf32, #tpu.memory_space<vmem>>, vector<16xf32>,
        %swap3A_224 = arith.constant 14 : i32
        %swap3A_225 = arith.index_cast %swap3A_224 : i32 to index
        %swap3A_226 = arith.index_cast %mul3A_155 : i32 to index
        %swap3A_227 = tpu.vector_load %arg8[%swap3A_225, %swap3A_226] {strides = array<i32>} : memref<16x224xf32, #tpu.memory_space<vmem>>, vector<16xf32>,
        tpu.vector_store %arg8[%swap3A_225, %swap3A_226], %select_n3A_167 {strides = array<i32>} : memref<16x224xf32, #tpu.memory_space<vmem>>, vector<16xf32>,
        %swap3A_228 = arith.constant 15 : i32
        %swap3A_229 = arith.index_cast %swap3A_228 : i32 to index
        %swap3A_230 = arith.index_cast %mul3A_155 : i32 to index
        %swap3A_231 = tpu.vector_load %arg8[%swap3A_229, %swap3A_230] {strides = array<i32>} : memref<16x224xf32, #tpu.memory_space<vmem>>, vector<16xf32>,
        tpu.vector_store %arg8[%swap3A_229, %swap3A_230], %select_n3A_167 {strides = array<i32>} : memref<16x224xf32, #tpu.memory_space<vmem>>, vector<16xf32>,
      }
      %scan3A_134 = arith.constant 14 : i32
      %add3A_135 = arith.constant 224 : i32
      %add3A_136 = arith.addi %add3A_79, %add3A_135 : i32
      %dma_start3A_137 = arith.constant 0 : i32
      %dma_start3A_138 = tpu.memref_slice %arg4[%add3A_79, %dma_start3A_137] : memref<7168x224xf32, #tpu.memory_space<hbm>> -> memref<16x224xf32, #tpu.memory_space<hbm>>
      %dma_start3A_139 = arith.constant 0 : i32
      %dma_start3A_140 = tpu.memref_slice %arg4[%add3A_79, %dma_start3A_139] : memref<7168x224xf32, #tpu.memory_space<hbm>> -> memref<16x224xf32, #tpu.memory_space<hbm>>
      tpu.enqueue_dma source(%arg8 : memref<16x224xf32, #tpu.memory_space<vmem>>) target(%dma_start3A_140 : memref<16x224xf32, #tpu.memory_space<hbm>>) target_semaphore(%arg11 : memref<!tpu.dma_semaphore, #tpu.memory_space<semaphore_mem>>)
      %dma_start3A_141 = arith.constant 0 : i32
      %dma_start3A_142 = tpu.memref_slice %arg4[%add3A_136, %dma_start3A_141] : memref<7168x224xf32, #tpu.memory_space<hbm>> -> memref<16x224xf32, #tpu.memory_space<hbm>>
      %dma_start3A_143 = arith.constant 0 : i32
      %dma_start3A_144 = tpu.memref_slice %arg4[%add3A_136, %dma_start3A_143] : memref<7168x224xf32, #tpu.memory_space<hbm>> -> memref<16x224xf32, #tpu.memory_space<hbm>>
      tpu.enqueue_dma source(%arg8 : memref<16x224xf32, #tpu.memory_space<vmem>>) target(%dma_start3A_144 : memref<16x224xf32, #tpu.memory_space<hbm>>) target_semaphore(%arg11 : memref<!tpu.dma_semaphore, #tpu.memory_space<semaphore_mem>>)
      %dma_wait3A_145 = arith.constant 0 : i32
      %dma_wait3A_146 = tpu.memref_slice %arg4[%add3A_79, %dma_wait3A_145] : memref<7168x224xf32, #tpu.memory_space<hbm>> -> memref<16x224xf32, #tpu.memory_space<hbm>>
      %dma_wait3A_147 = arith.constant 0 : i32
      %dma_wait3A_148 = tpu.memref_slice %arg4[%add3A_79, %dma_wait3A_147] : memref<7168x224xf32, #tpu.memory_space<hbm>> -> memref<16x224xf32, #tpu.memory_space<hbm>>
      tpu.wait_dma2 semaphore(%arg11 : memref<!tpu.dma_semaphore, #tpu.memory_space<semaphore_mem>>) src(%arg8 : memref<16x224xf32, #tpu.memory_space<vmem>>) dst(%dma_wait3A_148 : memref<16x224xf32, #tpu.memory_space<hbm>>)
      %dma_wait3A_149 = arith.constant 0 : i32
      %dma_wait3A_150 = tpu.memref_slice %arg4[%add3A_136, %dma_wait3A_149] : memref<7168x224xf32, #tpu.memory_space<hbm>> -> memref<16x224xf32, #tpu.memory_space<hbm>>
      %dma_wait3A_151 = arith.constant 0 : i32
      %dma_wait3A_152 = tpu.memref_slice %arg4[%add3A_136, %dma_wait3A_151] : memref<7168x224xf32, #tpu.memory_space<hbm>> -> memref<16x224xf32, #tpu.memory_space<hbm>>
      tpu.wait_dma2 semaphore(%arg11 : memref<!tpu.dma_semaphore, #tpu.memory_space<semaphore_mem>>) src(%arg8 : memref<16x224xf32, #tpu.memory_space<vmem>>) dst(%dma_wait3A_152 : memref<16x224xf32, #tpu.memory_space<hbm>>)
    }
    %scan3A_19 = arith.constant 7 : i32
    return
  }
}

</mosaic_0001>

<sc_bundles>
// kernel: kernel.3.cloned.1.call-start
scs
__scs_entry_jumppad:
0x0: {  	(pc) =	sbr.rel $0x88, $3  }
0x1: {  	(tag) =	ssettag $0x0;
	lr =	simm.s32 $0x1  }
0x2: {  	[smem:$0x3FA0] =	sst lr;
	_ =	strace $0xD0000000  }
0x3: {  	_ = 	snop  }
0x4: {  	_ = 	snop  }
0x5: {  	_ = 	snop  }
0x6: {  	_ = 	snop  }
0x7: {  	_ = 	snop  }
__scs_overlays_trampoline_lowered:
0x8: {  	[smem:$0x3FAF] =	sst s0  }
0x9: {  	[smem:$0x3FB0] =	sst s1  }
0xa: {  	[smem:$0x3FB1] =	sst s2  }
0xb: {  	[smem:$0x3FB2] =	sst s3  }
0xc: {  	[smem:$0x3FB3] =	sst s4  }
0xd: {  	[smem:$0x3FB4] =	sst s5  }
0xe: {  	[smem:$0x3FB5] =	sst s6  }
0xf: {  	[smem:$0x3FB6] =	sst s7  }
0x10: {  	[smem:$0x3FB7] =	sst s8  }
0x11: {  	[smem:$0x3FB8] =	sst s9;
	s0 =	simm.s32 @!p0 $0x0  }
0x12: {  	s1 =	sld [smem:$0x3F9E];
	s0 =	simm.s32 @p0 $0x1  }
0x13: {  	[smem:$0x3FB9] =	sst s0;
	s0 =	simm.s32 @!p1 $0x0  }
0x14: {  	s2 =	sld [smem:$0x3F9D];
	s0 =	simm.s32 @p1 $0x1  }
0x15: {  	[smem:$0x3FBA] =	sst s0;
	s0 =	simm.s32 @!p2 $0x0  }
0x16: {  	s3 =	sld [smem:$0x3FDB];
	s0 =	simm.s32 @p2 $0x1  }
0x17: {  	s4 =	simm.s32 $0x1BF5;
	[smem:$0x3FBC] =	sst s0  }
0x18: {  	s0 =	sld [smem:$0x3F9F];
	_ =	swait.ge [sflag:s4], $0x0  }
0x19: {  	s7 =	sld [smem:$0x3FA0]  }
0x1a: {  	s8 =	sadd.s32 $0xFFFFE003, lr  }
0x1b: {  	s9 =	sadd.s32 $0xFFFFFEF7, lr;
	s5 =	simm.s32 $0xFFFFFFFF;
	p2 =	slt.u32 s8, $0xFFFFF086  }
0x1c: {  	p1 =	slt.u32 s9, $0xF7A;
	s5 =	simm.s32 @!p2 $0x0  }
0x1d: {  	s5 =	simm.s32 @p1 $0x1;
	p0 =	seq.s32 s7, s2  }
0x1e: {  	s7 =	smul.u32 @!p0 $0xF7A, s2;
	p2 =	seq.s32 @!p0 s5, $0x0  }
0x1f: {  	s9 =	smul.u32 $0xF7A, s1;
	s8 =	simm.s32 @!p0 $0x1BF5;
	p2 =	por !p2, p0  }
0x20: {  	[sflag:s8] =	ssyncset.s32 @!p0 $0xFFFFF086;
	s6 =	sadd.s32 @!p0 s3, s7;
	s7 =	simm.s32 @!p0 $0x108  }
0x21: {  	s3 =	sadd.s32 s3, s9;
	s6 =	sadd.s32 @!p0 $0x88, s6;
	s7 =	simm.s32 @p2 $0x1082  }
0x22: {  	[simem:s7], [sflag:s8] =	dma.local @!p0 [hbm:s6], $0xF7A  }
0x23: {  	s9 =	sor.u32 $0xD0000000, s2;
	s6 =	simm.s32 $0x108;
	_ =	swait.ge @!p0 [sflag:s8], $0x0  }
0x24: {  	s3 =	sadd.s32 $0x88, s3;
	s6 =	simm.s32 @!p1 $0x1082;
	[sflag:s4] =	ssyncset.s32 $0xFFFFF086  }
0x25: {  	[simem:s6], [sflag:s4] =	dma.local [hbm:s3], $0xF7A  }
0x26: {  	[smem:$0x3FA0] =	sst s1;
	(tag) =	ssettag s2;
	_ =	strace s9  }
0x27: {  	s1 =	sld [smem:$0x3FB0]  }
0x28: {  	s2 =	sld [smem:$0x3FB1]  }
0x29: {  	s4 =	sld [smem:$0x3FB3]  }
0x2a: {  	p0 =	seq.s32 s5, $0x0;
	s5 =	sld [smem:$0x3FB4]  }
0x2b: {  	s6 =	sld [smem:$0x3FB5]  }
0x2c: {  	s7 =	sld [smem:$0x3FB6]  }
0x2d: {  	s3 =	simm.s32 $0x108;
	s8 =	sld [smem:$0x3FB7]  }
0x2e: {  	s3 =	simm.s32 @!p0 $0x1082;
	s9 =	sld [smem:$0x3FB8]  }
0x2f: {  	lr =	sadd.s32 s0, s3;
	s0 =	sld [smem:$0x3FAF]  }
0x30: {  	s3 =	sld [smem:$0x3FB2]  }
0x31: {  	[smem:$0x3FBB] =	sst s10  }
0x32: {  	s10 =	sld [smem:$0x3FB9];
	_ =	sdelay $0x3  }
0x33: {  	p0 =	seq.s32 s10, $0x1;
	s10 =	sld [smem:$0x3FBB];
	_ =	sdelay $0x3  }
0x34: {  	[smem:$0x3FBB] =	sst s10  }
0x35: {  	s10 =	sld [smem:$0x3FBA];
	_ =	sdelay $0x3  }
0x36: {  	p1 =	seq.s32 s10, $0x1;
	s10 =	sld [smem:$0x3FBB];
	_ =	sdelay $0x3  }
0x37: {  	[smem:$0x3FBB] =	sst s10  }
0x38: {  	s10 =	sld [smem:$0x3FBC]  }
0x39: {  	_ = 	snop;
	(pc) =	sbr.ind lr, $3  }
0x3a: {  	_ = 	snop  }
0x3b: {  	_ = 	snop  }
0x3c: {  	p2 =	seq.s32 s10, $0x1;
	s10 =	sld [smem:$0x3FBB]  }
0x3d: {  	_ =	shalt  }
0x3e: {  	_ =	shalt  }
0x3f: {  	_ =	shalt  }
0x40: {  	_ =	shalt  }
0x41: {  	_ =	shalt  }
0x42: {  	_ =	shalt  }
0x43: {  	_ =	shalt  }
0x44: {  	_ =	shalt  }
0x45: {  	_ =	shalt  }
0x46: {  	_ =	shalt  }
0x47: {  	_ =	shalt  }
0x48: {  	_ =	shalt  }
0x49: {  	_ =	shalt  }
0x4a: {  	_ =	shalt  }
0x4b: {  	_ =	shalt  }
0x4c: {  	_ =	shalt  }
0x4d: {  	_ =	shalt  }
0x4e: {  	_ =	shalt  }
0x4f: {  	_ =	shalt  }
0x50: {  	_ =	shalt  }
0x51: {  	_ =	shalt  }
0x52: {  	_ =	shalt  }
0x53: {  	_ =	shalt  }
0x54: {  	_ =	shalt  }
0x55: {  	_ =	shalt  }
0x56: {  	_ =	shalt  }
0x57: {  	_ =	shalt  }
0x58: {  	_ =	shalt  }
0x59: {  	_ =	shalt  }
0x5a: {  	_ =	shalt  }
0x5b: {  	_ =	shalt  }
0x5c: {  	_ =	shalt  }
0x5d: {  	_ =	shalt  }
0x5e: {  	_ =	shalt  }
0x5f: {  	_ =	shalt  }
0x60: {  	_ =	shalt  }
0x61: {  	_ =	shalt  }
0x62: {  	_ =	shalt  }
0x63: {  	_ =	shalt  }
0x64: {  	_ =	shalt  }
0x65: {  	_ =	shalt  }
0x66: {  	_ =	shalt  }
0x67: {  	_ =	shalt  }
0x68: {  	_ =	shalt  }
0x69: {  	_ =	shalt  }
0x6a: {  	_ =	shalt  }
0x6b: {  	_ =	shalt  }
0x6c: {  	_ =	shalt  }
0x6d: {  	_ =	shalt  }
0x6e: {  	_ =	shalt  }
0x6f: {  	_ =	shalt  }
0x70: {  	_ =	shalt  }
0x71: {  	_ =	shalt  }
0x72: {  	_ =	shalt  }
0x73: {  	_ =	shalt  }
0x74: {  	_ =	shalt  }
0x75: {  	_ =	shalt  }
0x76: {  	_ =	shalt  }
0x77: {  	_ =	shalt  }
0x78: {  	_ =	shalt  }
0x79: {  	_ =	shalt  }
0x7a: {  	_ =	shalt  }
0x7b: {  	_ =	shalt  }
0x7c: {  	_ =	shalt  }
0x7d: {  	_ =	shalt  }
0x7e: {  	_ =	shalt  }
0x7f: {  	_ =	shalt  }
0x80: {  	_ =	shalt  }
0x81: {  	_ =	shalt  }
0x82: {  	_ =	shalt  }
0x83: {  	_ =	shalt  }
0x84: {  	_ =	shalt  }
0x85: {  	_ =	shalt  }
0x86: {  	_ =	shalt  }
0x87: {  	_ =	shalt  }
.Lfunc_end0:
.L_simem_size_0:
called_computation_lowered:
.L_overlay_start_0:
0x88: {  	s2 =	sld [smem:$0x3FD9]  }
0x89: {  	s3 =	sld [smem:$0x3FFE];
	_ =	sdelay $0x1  }
0x8a: {  	s1 =	srdreg.scid  }
0x8b: {  	s0 =	sand.u32 $0x1, s1  }
0x8c: {  	s17 =	sshll.u32 s0, $0xA;
	s2 =	sadd.s32 s3, s2  }
0x8d: {  	s2 =	sadd.s32 s2, s17  }
0x8e: {  	[smem:$0x3FC7] =	sst s2  }
0x8f: {  	_ = 	snop  }
0x90: {  	s2 =	sld [smem:$0x3FD0];
	(tm) =	ssettm $0x1  }
0x91: {  	s18 =	sld [smem:$0x3FFB];
	_ =	sdelay $0x3  }
0x92: {  	_ =	strace s18  }
0x93: {  	s3 =	sld [smem:$0x3FFC];
	_ =	sdelay $0x3  }
0x94: {  	_ =	strace s3  }
0x95: {  	s3 =	sld [smem:$0x3FFD];
	_ =	sdelay $0x3  }
0x96: {  	_ =	strace s3  }
0x97: {  	_ =	strace $0x8FFFFFFF  }
0x98: {  	s19 =	sld [smem:$0x3FDB];
	_ =	sdelay $0x1  }
0x99: {  	s4 =	simm.s32 $_scs_section_size  }
0x9a: {  	s5 =	simm.s32 $_size__tile_overlayer_lowered;
	s6 =	simm.s32 $_tile_overlayer_lowered  }
0x9b: {  	s22 =	simm.s32 $0x1BFF;
	s21 =	sshll.u32 s6, $0x1;
	s3 =	sadd.s32 s4, s19  }
0x9c: {  	s7 =	simm.s32 $0x0;
	s20 =	sshll.u32 s5, $0x1;
	s5 =	sadd.s32 s21, s3  }
0x9d: {  	[timem:s7], [sflag:s22] =	dma.local [hbm:s5], s20  }
0x9e: {  	_ =	swait.ge [sflag:s22], s20  }
0x9f: {  	s4 =	ssub.s32 $0x0, s20;
	[sflag:s22] =	ssyncset.done $0x0  }
0xa0: {  	[sflag:s22] =	ssyncadd.s32 s4;
	_ =	sdelay $0x1  }
0xa1: {  	s23 =	simm.s32 $0x1B8B  }
0xa2: {  	_ =	swait.ge [sflag:s23], $0x1  }
0xa3: {  	[sflag:s23] =	ssyncset.done $0x0  }
0xa4: {  	s25 =	simm.s32 $0x1B8E;
	s24 =	sld [smem:$0x3FFE];
	[sflag:s23] =	ssyncadd.s32 $0xFFFFFFFF  }
0xa5: {  	s26 =	simm.s32 $execute0_lowered;
	[smem:$0x3FD2] =	sst s25  }
0xa6: {  	s5 =	sshll.u32 s26, $0x1;
	_ =	strace $0x80000046;
	[dreg:$0x1] =	wrdreg $0xFFFFFFFF  }
0xa7: {  	s28 =	simm.s32 $_size_execute0_lowered;
	s3 =	sadd.s32 s3, s5;
	[dreg:$0x0] =	wrdreg $0x0  }
0xa8: {  	s5 =	sshll.u32 s28, $0x1;
	[dreg:$0x2] =	wrdreg s3  }
0xa9: {  	[dreg:$0x3] =	wrdreg s5  }
0xaa: {  	[dreg:$0x4] =	wrdreg $0xC0  }
0xab: {  	_ =	task [dreg:s7], $0x5FFFF  }
0xac: {  	[dreg:$0x1] =	wrdreg $0xFFFFFFFF  }
0xad: {  	[dreg:$0x0] =	wrdreg $0x60  }
0xae: {  	[dreg:$0x2] =	wrdreg s24  }
0xaf: {  	[dreg:$0x3] =	wrdreg s2  }
0xb0: {  	[dreg:$0x4] =	wrdreg $0x9  }
0xb1: {  	_ =	task.clear_ibuf [dreg:s7], $0x5FFFF;
	_ =	strace $0x90000046  }
0xb2: {  	s29 =	simm.s32 $0x9;
	_ =	strace $0x80000048  }
0xb3: {  	_ =	swait.ge [sflag:s29], $0x1  }
0xb4: {  	[sflag:s29] =	ssyncadd.s32 $0xFFFFFFFF  }
0xb5: {  	_ =	strace $0x90000048  }
0xb6: {  	_ =	sfence  }
0xb7: {  	s30 =	sld [smem:$0x0];
	_ =	sdelay $0x2  }
0xb8: {  	s31 =	sshll.u32 s1, $0xD;
	s1 =	sshrl.u32 s1, $0x2  }
0xb9: {  	s3 =	sand.u32 $0x4000, s31;
	s1 =	sadd.s32 s1, s30  }
0xba: {  	s0 =	sor.u32 s3, s0;
	s1 =	sshll.u32 s1, $0x11  }
0xbb: {  	s0 =	sor.u32 s1, s0  }
0xbc: {  	s0 =	sadd.s32 $0x8F2B, s0  }
0xbd: {  	[sflag:s0] =	ssyncadd.remote.s32 $0x1  }
0xbe: {  	_ =	sfence.sel $0xFFFF  }
0xbf: {  	[dreg:$0x0] =	wrdreg $0xFFFFFFFF;
	(pc) =	sbr.abs _section_cstart, $3  }
0xc0: {  	[dreg:$0x1] =	wrdreg $0xFFFFFFFF  }
0xc1: {  	_ =	task.clear_ibuf [dreg:s7], $0x2FFFF;
	_ =	strace $0x9FFFFFFF  }
0xc2: {  	(tm) =	ssettm $0x7FFFFFFF  }
0xc3: {  	_ =	shalt  }
tec
execute0_lowered:
.L_overlay_start_1:
0x0: {  	(tag) =	ssettag $0x1  }
0x1: {  	s4 =	rddreg [dreg:$0x0]  }
0x2: {  	s1 =	srdreg.scid;
	s0 =	stileid.u32  }
0x3: {  	s2 =	rddreg [dreg:$0x1];
	s3 =	simm.s32 $0x0;
	s9 =	simm.s32 $0x1  }
0x4: {  	s10 =	simm.s32 $0x1000;
	s11 =	simm.s32 $0x3800;
	s12 =	simm.s32 $0x3900  }
0x5: {  	s13 =	simm.s32 $0x2800;
	s5 =	sand.u32 $0x1, s1;
	s1 =	rddreg [dreg:$0x2]  }
0x6: {  	s14 =	simm.s32 $0x0;
	s6 =	sshll.u32 s0, $0x1;
	[smem:$0x7FF] =	sst s3  }
0x7: {  	s6 =	sor.u32 s5, s6;
	s5 =	ssub.s32 $0x2, s5;
	_ =	strace $0x80000047  }
0x8: {  	v1 =	vlaneseq.u32;
	s7 =	sshll.u32 s6, $0x8;
	s8 =	sshrl.u32 s5, $0x1;
	s6 =	smul.u32 $0x7, s6  }
0x9: {  	v1 =	vmul.u32 $0x10, v1;
	s7 =	sadd.s32 s7, s4;
	s4 =	sadd.s32 $0x600, s4;
	s8 =	ssub.s32 s5, s8  }
0xa: {  	v0 =	vimm.f32 $0.0e+00;
	s5 =	sadd.s32 $0x38600, s7;
	s7 =	smax.u32 s8, $0x1;
	s8 =	simm.s32 $0x2000  }
.LBB2_1:
0xb: {  	[tilespmem:s8], [sflag:$0x1] =	stream.linear.gather [hbm4b:s5+s3], $0x800, $0x38;
	[tilespmem:$0x3980] =	vst v63  }
0xc: {  	_ =	swait.ge [sflag:s9], $0x800  }
0xd: {  	[sflag:s9] =	ssyncset.done $0x0  }
0xe: {  	s15 =	simm.s32 $0x0;
	[sflag:s9] =	ssyncadd.s32 $0xFFFFF800  }
.LBB2_2:
0xf: {  	s16 =	sadd.s32 s6, s15  }
0x10: {  	s17 =	sshrl.u32 s16, $0x4  }
0x11: {  	s17 =	smulhi.u32 $0x24924925, s17;
	_ =	sdelay $0x1  }
0x12: {  	s18 =	smul.u32 $0xFFFFFF90, s17;
	_ =	sdelay $0x1  }
0x13: {  	s16 =	sadd.s32 s16, s18  }
0x14: {  	s18 =	smulhi.u32 $0x92492493, s16;
	s19 =	sshra.s32 s16, $0x1F  }
0x15: {  	s19 =	smul.u32 $0x92492493, s19  }
0x16: {  	s18 =	ssub.s32 s18, s16  }
0x17: {  	s18 =	sadd.s32 s19, s18  }
0x18: {  	s18 =	sadd.s32 s16, s18  }
0x19: {  	s24 =	sshrl.u32 s18, $0x1F;
	s18 =	sshra.s32 s18, $0x3  }
0x1a: {  	s18 =	sadd.s32 s24, s18  }
0x1b: {  	s19 =	smul.u32 $0xFFFFFFF2, s18  }
0x1c: {  	s20 =	ssub.s32 $0x0, s16  }
0x1d: {  	p0 =	slt.s32 s16, $0x1;
	p1 =	sne.s32 s19, s20  }
0x1e: {  	p0 =	por !p0, !p1  }
0x1f: {  	s19 =	simm.s32 $0x1;
	p0 =	por !p0, !p0  }
0x20: {  	s19 =	simm.s32 @!p0 $0x0  }
0x21: {  	s17 =	smul.u32 $0xE00, s17;
	s18 =	ssub.s32 s18, s19  }
0x22: {  	s19 =	smul.u32 $0xFFFFFF2, s18  }
0x23: {  	s18 =	smul.u32 $0x1C0, s18  }
0x24: {  	s16 =	sadd.s32 s16, s19  }
0x25: {  	s17 =	sadd.s32 s17, s18;
	s16 =	sshll.u32 s16, $0x4  }
0x26: {  	s17 =	sadd.s32 s16, s17  }
0x27: {  	s16 =	sshll.u32 s17, $0x5;
	s17 =	sshll.u32 s17, $0x8  }
0x28: {  	s18 =	simm.s32 $0x0;
	s25 =	sadd.s32 s4, s16;
	s17 =	sadd.s32 $0xE000, s17  }
0x29: {  	[tilespmem:s18], [sflag:$0x1] =	stream.linear.gather [hbm4b:s25+s18], $0x1000, $0x38;
	[tilespmem:$0x3980] =	vst v63  }
0x2a: {  	s17 =	sshrl.u32 s17, $0x3  }
0x2b: {  	s26 =	sadd.s32 s4, s17  }
0x2c: {  	[tilespmem:s10], [sflag:$0x1] =	stream.linear.gather [hbm4b:s26+s18], $0x1000, $0x38;
	[tilespmem:$0x3980] =	vst v63  }
0x2d: {  	_ =	swait.ge [sflag:s9], $0x1000  }
0x2e: {  	[sflag:s9] =	ssyncset.done $0x0  }
0x2f: {  	[sflag:s9] =	ssyncadd.s32 $0xFFFFF000  }
0x30: {  	s28 =	sand.u32 $0xFFFFFC00, s18;
	_ =	swait.ge [sflag:s9], $0x1000  }
0x31: {  	s29 =	sadd.s32 $0x0, s28;
	[sflag:s9] =	ssyncset.done $0x0  }
0x32: {  	s22 =	sor.u32 $0x180, s29;
	[sflag:s9] =	ssyncadd.s32 $0xFFFFF000  }
0x33: {  	s25 =	sor.u32 $0x80, s29;
	v2 =	vld [tilespmem:s22+$0x0]  }
0x34: {  	s30 =	sand.u32 $0x70, s18;
	s21 =	sand.u32 $0x400, s18;
	s24 =	sor.u32 $0x280, s29;
	v3 =	vld [tilespmem:s25+$0x0]  }
0x35: {  	s19 =	sor.u32 s30, s21;
	v5 =	vld [tilespmem:s24+$0x0]  }
0x36: {  	v6 =	vld [tilespmem:s19+$0x0]  }
0x37: {  	v4 =	vld [tilespmem:s19+$0x100]  }
0x38: {  	s26 =	sor.u32 s18, s18  }
0x39: {  	s28 =	sor.u32 $0x380, s26;
	s26 =	sor.u32 $0xB80, s26;
	v7 =	vld [tilespmem:s19+$0x200];
	vm0 =	vgt.f32 v2, $0.0e+00;
	vm1 =	vlt.f32 v3, $0.0e+00  }
0x3a: {  	v8 =	vld [tilespmem:s26+$0x0];
	vm2 =	vgt.f32 v3, $0.0e+00;
	vm3 =	vlt.f32 v2, $0.0e+00;
	vm4 =	vlt.f32 v5, $0.0e+00  }
0x3b: {  	v2 =	vld [tilespmem:s28+$0x0];
	vm5 =	vgt.f32 v5, $0.0e+00;
	vm6 =	vlt.f32 v6, $0.0e+00;
	vm7 =	vgt.f32 v6, $0.0e+00  }
0x3c: {  	v3 =	vld [tilespmem:s19+$0x300];
	vm1 =	vmor vm2, vm1;
	vm2 =	vlt.f32 v4, $0.0e+00;
	vm0 =	vmor vm0, vm3  }
0x3d: {  	s31 =	sor.u32 $0x980, s29;
	v5 =	vld [tilespmem:s19+$0x800];
	vm3 =	vgt.f32 v4, $0.0e+00;
	vm4 =	vmor vm5, vm4;
	vm5 =	vmor vm7, vm6  }
0x3e: {  	v4 =	vld [tilespmem:s31+$0x0];
	vm2 =	vmor vm3, vm2;
	vm1 =	vmor vm5, vm1  }
0x3f: {  	s23 =	sor.u32 $0x880, s29;
	vm6 =	vlt.f32 v7, $0.0e+00;
	vm7 =	vgt.f32 v7, $0.0e+00;
	vm1 =	vmor vm1, vm2  }
0x40: {  	v6 =	vld [tilespmem:s23+$0x0];
	vm9 =	vgt.f32 v8, $0.0e+00;
	vm3 =	vmor vm7, vm6;
	vm0 =	vmor vm1, vm0  }
0x41: {  	vm6 =	vlt.f32 v2, $0.0e+00;
	vm5 =	vlt.f32 v3, $0.0e+00;
	vm7 =	vgt.f32 v3, $0.0e+00  }
0x42: {  	v7 =	vld [tilespmem:s19+$0xA00];
	vm0 =	vmor vm0, vm3;
	vm3 =	vlt.f32 v5, $0.0e+00;
	vm2 =	vmor vm7, vm5  }
0x43: {  	v10 =	vld [tilespmem:s22+$0x1000];
	vm5 =	vgt.f32 v2, $0.0e+00;
	vm1 =	vlt.f32 v4, $0.0e+00;
	vm7 =	vgt.f32 v4, $0.0e+00  }
0x44: {  	s20 =	sor.u32 $0xA80, s29;
	v3 =	vld [tilespmem:s19+$0x900];
	vm0 =	vmor vm0, vm4;
	vm4 =	vgt.f32 v5, $0.0e+00;
	vm1 =	vmor vm7, vm1  }
0x45: {  	v5 =	vld [tilespmem:s20+$0x0];
	vm7 =	vlt.f32 v6, $0.0e+00;
	vm5 =	vmor vm5, vm6;
	vm6 =	vgt.f32 v6, $0.0e+00  }
0x46: {  	v4 =	vld [tilespmem:s28+$0x1000];
	vm0 =	vmor vm0, vm2;
	vm3 =	vmor vm4, vm3;
	vm6 =	vmor vm6, vm7  }
0x47: {  	v6 =	vld [tilespmem:s19+$0xB00];
	vm0 =	vmor vm0, vm5;
	vm5 =	vlt.f32 v7, $0.0e+00;
	vm7 =	vgt.f32 v7, $0.0e+00  }
0x48: {  	vm13 =	vlt.f32 v10, $0.0e+00;
	vm0 =	vmor vm0, vm3;
	vm3 =	vmor vm7, vm5  }
0x49: {  	v7 =	vld [tilespmem:s19+$0x1000];
	vm8 =	vlt.f32 v3, $0.0e+00;
	vm2 =	vgt.f32 v3, $0.0e+00;
	vm6 =	vmor vm0, vm6  }
0x4a: {  	v2 =	vld [tilespmem:s19+$0x1A00];
	vm4 =	vmor vm2, vm8;
	vm5 =	vlt.f32 v5, $0.0e+00;
	vm7 =	vgt.f32 v5, $0.0e+00  }
0x4b: {  	vm2 =	vgt.f32 v4, $0.0e+00;
	v5 =	vld [tilespmem:s19+$0x1100];
	vm4 =	vmor vm6, vm4;
	vm5 =	vmor vm7, vm5  }
0x4c: {  	v9 =	vld [tilespmem:s25+$0x1000];
	vm6 =	vlt.f32 v6, $0.0e+00;
	vm1 =	vmor vm4, vm1;
	vm4 =	vgt.f32 v6, $0.0e+00  }
0x4d: {  	vm7 =	vlt.f32 v8, $0.0e+00;
	vm1 =	vmor vm1, vm3;
	vm3 =	vmor vm4, vm6  }
0x4e: {  	v6 =	vld [tilespmem:s24+$0x1000];
	vm4 =	vlt.f32 v7, $0.0e+00;
	vm1 =	vmor vm1, vm5;
	vm5 =	vgt.f32 v7, $0.0e+00  }
0x4f: {  	vm0 =	vlt.f32 v2, $0.0e+00;
	vm7 =	vmor vm9, vm7;
	vm4 =	vmor vm5, vm4  }
0x50: {  	vm5 =	vlt.f32 v5, $0.0e+00;
	vm15 =	vgt.f32 v5, $0.0e+00;
	v5 =	vld [tilespmem:s19+$0x1200];
	vm3 =	vmor vm1, vm3  }
0x51: {  	v8 =	vld [tilespmem:s19+$0x1300];
	vm6 =	vlt.f32 v9, $0.0e+00;
	vm1 =	vgt.f32 v9, $0.0e+00;
	vm3 =	vmor vm3, vm7  }
0x52: {  	vm5 =	vmor vm15, vm5;
	vm6 =	vmor vm1, vm6;
	vm4 =	vmor vm3, vm4  }
0x53: {  	v3 =	vld [tilespmem:s26+$0x1000];
	vm12 =	vlt.f32 v6, $0.0e+00;
	vm7 =	vgt.f32 v6, $0.0e+00;
	vm4 =	vmor vm4, vm6  }
0x54: {  	vm14 =	vlt.f32 v4, $0.0e+00;
	v7 =	vld [tilespmem:s19+$0x1800];
	vm3 =	vmor vm7, vm12;
	vm4 =	vmor vm4, vm5  }
0x55: {  	vm5 =	vgt.f32 v10, $0.0e+00;
	vm7 =	vgt.f32 v5, $0.0e+00;
	vm6 =	vlt.f32 v5, $0.0e+00;
	v5 =	vld [tilespmem:s23+$0x1000]  }
0x56: {  	v4 =	vld [tilespmem:s19+$0x1900];
	vm2 =	vmor vm2, vm14;
	vm15 =	vgt.f32 v8, $0.0e+00;
	vm5 =	vmor vm5, vm13  }
0x57: {  	vm6 =	vmor vm7, vm6;
	vm4 =	vmor vm4, vm5;
	vm7 =	vlt.f32 v8, $0.0e+00  }
0x58: {  	s21 =	simm.s32 $0x3800;
	s22 =	simm.s32 $0x3800;
	vm1 =	vgt.f32 v3, $0.0e+00;
	v6 =	vld [tilespmem:s31+$0x1000];
	s23 =	simm.s32 $0x10;
	vm5 =	vmor vm4, vm6;
	vm4 =	vmor vm15, vm7  }
.LBB2_3:
0x59: {  	p0 =	sne.s32 s23, $0xD0;
	vm3 =	vmor vm5, vm3;
	vm5 =	vlt.f32 v7, $0.0e+00;
	vm6 =	vgt.f32 v7, $0.0e+00;
	s18 =	sadd.s32 $0x80, s18;
	s22 =	sadd.s32 $0x10, s22  }
0x5a: {  	s30 =	smov.u32 s23;
	s23 =	sadd.s32 $0x10, s23;
	vm3 =	vmor vm3, vm4;
	vm4 =	vmor vm6, vm5;
	vm5 =	vlt.f32 v5, $0.0e+00;
	v7 =	vld [tilespmem:s20+$0x1000]  }
0x5b: {  	vm2 =	vmor vm3, vm2;
	vm3 =	vgt.f32 v5, $0.0e+00;
	vm6 =	vlt.f32 v4, $0.0e+00  }
0x5c: {  	vm2 =	vmor vm2, vm4;
	vm3 =	vmor vm3, vm5;
	vm4 =	vgt.f32 v4, $0.0e+00;
	v4 =	vld [tilespmem:s19+$0x1B00]  }
0x5d: {  	vm2 =	vmor vm2, vm3;
	vm3 =	vmor vm4, vm6;
	vm4 =	vlt.f32 v6, $0.0e+00  }
0x5e: {  	vm5 =	vgt.f32 v2, $0.0e+00;
	vm2 =	vmor vm2, vm3;
	vm3 =	vgt.f32 v6, $0.0e+00  }
0x5f: {  	vm0 =	vmor vm5, vm0;
	vm3 =	vmor vm3, vm4  }
0x60: {  	vm4 =	vlt.f32 v3, $0.0e+00;
	vm2 =	vmor vm2, vm3;
	vm3 =	vgt.f32 v7, $0.0e+00  }
0x61: {  	vm5 =	vlt.f32 v7, $0.0e+00;
	vm1 =	vmor vm1, vm4;
	vm6 =	vgt.f32 v4, $0.0e+00  }
0x62: {  	vm0 =	vmor vm2, vm0;
	vm2 =	vmor vm3, vm5;
	vm3 =	vlt.f32 v4, $0.0e+00  }
0x63: {  	vm0 =	vmor vm0, vm2;
	vm2 =	vmor vm6, vm3  }
0x64: {  	s19 =	sand.u32 $0xFFFFFC00, s18;
	vm0 =	vmor vm0, vm2  }
0x65: {  	s20 =	sand.u32 $0x70, s30;
	s24 =	sand.u32 $0x400, s18;
	s28 =	sadd.s32 s19, s30;
	vm0 =	vmor vm0, vm1  }
0x66: {  	s29 =	sor.u32 $0x80, s28;
	s26 =	sor.u32 $0x180, s28;
	s25 =	sor.u32 $0x880, s28;
	v2 =	vsel vm0, $0x3F800000, v0  }
0x67: {  	s19 =	sor.u32 s20, s24;
	s24 =	sor.u32 $0x980, s28;
	s20 =	sor.u32 $0xA80, s28;
	[tilespmem:s21+$0x0] =	vst v2  }
0x68: {  	s21 =	smov.u32 s22;
	v2 =	vld [tilespmem:s26+$0x0]  }
0x69: {  	v3 =	vld [tilespmem:s29+$0x0]  }
0x6a: {  	s28 =	sor.u32 $0x280, s28;
	v4 =	vld [tilespmem:s19+$0x100]  }
0x6b: {  	v5 =	vld [tilespmem:s28+$0x0]  }
0x6c: {  	s30 =	sor.u32 s30, s18;
	v6 =	vld [tilespmem:s19+$0x0]  }
0x6d: {  	s31 =	sor.u32 $0x380, s30;
	vm0 =	vgt.f32 v2, $0.0e+00;
	v7 =	vld [tilespmem:s19+$0x200]  }
0x6e: {  	vm3 =	vlt.f32 v2, $0.0e+00;
	vm1 =	vlt.f32 v3, $0.0e+00;
	vm2 =	vgt.f32 v3, $0.0e+00;
	v2 =	vld [tilespmem:s31+$0x0]  }
0x6f: {  	vm0 =	vmor vm0, vm3;
	vm1 =	vmor vm2, vm1;
	vm2 =	vlt.f32 v4, $0.0e+00;
	v3 =	vld [tilespmem:s19+$0x300]  }
0x70: {  	vm3 =	vgt.f32 v4, $0.0e+00;
	vm4 =	vlt.f32 v5, $0.0e+00;
	vm5 =	vgt.f32 v5, $0.0e+00;
	v4 =	vld [tilespmem:s19+$0x800]  }
0x71: {  	vm6 =	vlt.f32 v6, $0.0e+00;
	vm7 =	vgt.f32 v6, $0.0e+00;
	vm4 =	vmor vm5, vm4;
	v5 =	vld [tilespmem:s24+$0x0]  }
0x72: {  	vm5 =	vmor vm7, vm6;
	vm6 =	vlt.f32 v7, $0.0e+00;
	vm7 =	vgt.f32 v7, $0.0e+00  }
0x73: {  	vm2 =	vmor vm3, vm2;
	vm3 =	vmor vm7, vm6;
	vm6 =	vlt.f32 v2, $0.0e+00;
	v6 =	vld [tilespmem:s25+$0x0]  }
0x74: {  	vm1 =	vmor vm5, vm1;
	vm5 =	vlt.f32 v3, $0.0e+00;
	vm7 =	vgt.f32 v3, $0.0e+00;
	v3 =	vld [tilespmem:s19+$0x900]  }
0x75: {  	vm1 =	vmor vm1, vm2;
	vm2 =	vmor vm7, vm5;
	vm5 =	vgt.f32 v2, $0.0e+00  }
0x76: {  	vm0 =	vmor vm1, vm0;
	vm1 =	vlt.f32 v5, $0.0e+00;
	vm7 =	vgt.f32 v5, $0.0e+00;
	v5 =	vld [tilespmem:s31+$0x1000]  }
0x77: {  	vm0 =	vmor vm0, vm3;
	vm3 =	vlt.f32 v4, $0.0e+00;
	vm1 =	vmor vm7, vm1;
	v7 =	vld [tilespmem:s19+$0xA00]  }
0x78: {  	vm0 =	vmor vm0, vm4;
	vm4 =	vgt.f32 v4, $0.0e+00;
	vm7 =	vlt.f32 v6, $0.0e+00;
	v4 =	vld [tilespmem:s20+$0x0]  }
0x79: {  	vm5 =	vmor vm5, vm6;
	vm6 =	vgt.f32 v6, $0.0e+00;
	vm8 =	vlt.f32 v3, $0.0e+00;
	v2 =	vld [tilespmem:s19+$0x1A00]  }
0x7a: {  	s30 =	sor.u32 $0xB80, s30;
	vm0 =	vmor vm0, vm2;
	vm6 =	vmor vm6, vm7;
	vm2 =	vgt.f32 v3, $0.0e+00;
	v6 =	vld [tilespmem:s19+$0xB00]  }
0x7b: {  	vm3 =	vmor vm4, vm3;
	vm4 =	vmor vm2, vm8;
	v8 =	vld [tilespmem:s30+$0x0];
	vm2 =	vgt.f32 v5, $0.0e+00  }
0x7c: {  	vm0 =	vmor vm0, vm5;
	vm5 =	vlt.f32 v7, $0.0e+00;
	vm7 =	vgt.f32 v7, $0.0e+00;
	v7 =	vld [tilespmem:s19+$0x1000]  }
0x7d: {  	vm0 =	vmor vm0, vm3;
	vm3 =	vmor vm7, vm5;
	vm5 =	vlt.f32 v4, $0.0e+00;
	v9 =	vld [tilespmem:s29+$0x1000]  }
0x7e: {  	vm6 =	vmor vm0, vm6;
	vm7 =	vgt.f32 v4, $0.0e+00;
	v4 =	vld [tilespmem:s19+$0x1100];
	vm0 =	vlt.f32 v2, $0.0e+00  }
0x7f: {  	vm4 =	vmor vm6, vm4;
	vm5 =	vmor vm7, vm5;
	vm6 =	vlt.f32 v6, $0.0e+00;
	v3 =	vld [tilespmem:s30+$0x1000]  }
0x80: {  	vm1 =	vmor vm4, vm1;
	vm4 =	vgt.f32 v6, $0.0e+00;
	vm7 =	vlt.f32 v8, $0.0e+00  }
0x81: {  	vm1 =	vmor vm1, vm3;
	vm3 =	vmor vm4, vm6;
	vm4 =	vlt.f32 v7, $0.0e+00;
	v6 =	vld [tilespmem:s28+$0x1000]  }
0x82: {  	vm1 =	vmor vm1, vm5;
	vm5 =	vgt.f32 v7, $0.0e+00;
	vm6 =	vlt.f32 v9, $0.0e+00;
	v10 =	vld [tilespmem:s26+$0x1000]  }
0x83: {  	vm4 =	vmor vm5, vm4;
	vm5 =	vlt.f32 v4, $0.0e+00;
	vm8 =	vgt.f32 v4, $0.0e+00;
	v4 =	vld [tilespmem:s19+$0x1200]  }
0x84: {  	vm3 =	vmor vm1, vm3;
	vm1 =	vgt.f32 v9, $0.0e+00;
	vm5 =	vmor vm8, vm5  }
0x85: {  	vm6 =	vmor vm1, vm6;
	vm8 =	vgt.f32 v8, $0.0e+00;
	vm1 =	vgt.f32 v3, $0.0e+00  }
0x86: {  	vm7 =	vmor vm8, vm7;
	vm8 =	vlt.f32 v6, $0.0e+00;
	vm9 =	vgt.f32 v6, $0.0e+00  }
0x87: {  	vm7 =	vmor vm3, vm7;
	vm10 =	vlt.f32 v10, $0.0e+00;
	vm3 =	vmor vm9, vm8;
	v6 =	vld [tilespmem:s19+$0x1300]  }
0x88: {  	vm4 =	vmor vm7, vm4;
	vm8 =	vlt.f32 v5, $0.0e+00;
	vm7 =	vgt.f32 v4, $0.0e+00  }
.Ltmp0:
0x89: {  	vm4 =	vmor vm4, vm6;
	vm6 =	vlt.f32 v4, $0.0e+00;
	vm2 =	vmor vm2, vm8;
	v7 =	vld [tilespmem:s19+$0x1800];
	(pc) =	sbr.rel @p0 .LBB2_3-.Ltmp0, $4  }
0x8a: {  	vm4 =	vmor vm4, vm5;
	vm5 =	vgt.f32 v10, $0.0e+00;
	vm6 =	vmor vm7, vm6;
	v5 =	vld [tilespmem:s25+$0x1000]  }
0x8b: {  	vm5 =	vmor vm5, vm10;
	v4 =	vld [tilespmem:s19+$0x1900]  }
0x8c: {  	vm4 =	vmor vm4, vm5;
	vm7 =	vlt.f32 v6, $0.0e+00;
	vm8 =	vgt.f32 v6, $0.0e+00  }
0x8d: {  	vm5 =	vmor vm4, vm6;
	vm4 =	vmor vm8, vm7;
	v6 =	vld [tilespmem:s24+$0x1000]  }
0x8e: {  	vm3 =	vmor vm5, vm3;
	vm15 =	vlt.f32 v7, $0.0e+00;
	vm6 =	vgt.f32 v7, $0.0e+00  }
0x8f: {  	v63 =	vld [tilespmem:s20+$0x1000];
	vm3 =	vmor vm3, vm4;
	vm9 =	vlt.f32 v5, $0.0e+00;
	vm10 =	vgt.f32 v5, $0.0e+00  }
0x90: {  	vm8 =	vmor vm6, vm15;
	v5 =	vld [tilespmem:s19+$0x1B00];
	vm2 =	vmor vm3, vm2;
	vm3 =	vmor vm10, vm9  }
0x91: {  	vm11 =	vlt.f32 v4, $0.0e+00;
	vm12 =	vgt.f32 v4, $0.0e+00;
	vm2 =	vmor vm2, vm8  }
0x92: {  	vm13 =	vmor vm12, vm11;
	vm8 =	vgt.f32 v2, $0.0e+00;
	vm2 =	vmor vm2, vm3  }
0x93: {  	vm14 =	vlt.f32 v6, $0.0e+00;
	vm15 =	vgt.f32 v6, $0.0e+00;
	vm0 =	vmor vm8, vm0  }
0x94: {  	vm2 =	vmor vm2, vm13;
	vm4 =	vmor vm15, vm14;
	vm9 =	vgt.f32 v63, $0.0e+00  }
0x95: {  	vm10 =	vlt.f32 v63, $0.0e+00;
	vm2 =	vmor vm2, vm4;
	vm11 =	vgt.f32 v5, $0.0e+00  }
0x96: {  	vm12 =	vmor vm9, vm10;
	vm13 =	vlt.f32 v5, $0.0e+00;
	vm0 =	vmor vm2, vm0  }
0x97: {  	vm14 =	vlt.f32 v3, $0.0e+00;
	vm15 =	vmor vm11, vm13;
	vm0 =	vmor vm0, vm12  }
0x98: {  	s18 =	simm.s32 $0x0;
	vm1 =	vmor vm1, vm14;
	vm0 =	vmor vm0, vm15  }
0x99: {  	v3 =	vor.u32 s18, v1;
	vm0 =	vmor vm0, vm1  }
0x9a: {  	v2 =	vsel vm0, $0x3F800000, v0  }
0x9b: {  	[tilespmem:s21+$0x0] =	vst v2;
	v2 =	vimm.f32 $0.0e+00  }
0x9c: {  	[tilespmem:$0x38E0] =	vst v2  }
0x9d: {  	[tilespmem:$0x38F0] =	vst v2  }
0x9e: {  	s18 =	simm.s32 $0x1;
	v3 =	vld.idx.msk [tilespmem:v3+s11+$0x0], $0xffff  }
.LBB2_5:
0x9f: {  	v4 =	vor.u32 s18, v1;
	p0 =	sne.s32 s18, $0xF;
	s18 =	sadd.s32 $0x1, s18  }
.Ltmp1:
0xa0: {  	(pc) =	sbr.rel @p0 .LBB2_5-.Ltmp1, $2  }
0xa1: {  	_ =	sdelay $0x2  }
0xa2: {  	v2 =	vmax.f32 v2, v3;
	v3 =	vld.idx.msk [tilespmem:v4+s11+$0x0], $0xffff  }
0xa3: {  	_ =	sdelay $0x3  }
0xa4: {  	s18 =	sshll.u32 s15, $0x7;
	v2 =	vmax.f32 v2, v3  }
0xa5: {  	s19 =	simm.s32 $0x0;
	s18 =	sand.u32 $0x3FFFFF80, s18;
	v3 =	vshra.s32 v2, $0x1F  }
0xa6: {  	s20 =	sand.u32 $0x400, s19;
	s18 =	sadd.s32 $0x2000, s18  }
0xa7: {  	s21 =	sand.u32 $0x70, s19;
	s22 =	sadd.s32 s20, s18  }
0xa8: {  	s22 =	sadd.s32 s21, s22;
	[tilespmem:$0x3900] =	vst v2  }
0xa9: {  	v4 =	vld [tilespmem:s22+$0x0]  }
0xaa: {  	v2 =	vld.idx.msk [tilespmem:v3+s12+$0x0], $0xffff;
	_ =	sdelay $0x4  }
0xab: {  	vm1 =	vgt.f32 v4, $0.0e+00;
	vm0 =	vgt.f32 v2, $0.0e+00  }
0xac: {  	vm0 =	vmand vm0, vm1  }
0xad: {  	s21 =	sor.u32 s21, s20;
	v2 =	vsel vm0, $0x3F800000, v0  }
0xae: {  	s23 =	simm.s32 $0x0;
	[tilespmem:s21+$0x2B00] =	vst v2  }
0xaf: {  	s24 =	simm.s32 $0x0;
	s20 =	sor.u32 s19, s19;
	s22 =	simm.s32 $0x1;
	v3 =	vadd.s32 $0x1, v3;
	[tilespmem:s21+$0x2A80] =	vst v2  }
.LBB2_7:
0xb0: {  	p0 =	sne.s32 s22, $0xD;
	v4 =	vadd.s32 s19, v3;
	[tilespmem:s21+$0x2A00] =	vst v2;
	s23 =	sadd.s32 $0x80, s23;
	s24 =	sadd.s32 $0x10, s24  }
0xb1: {  	s19 =	smov.u32 s22;
	s22 =	sadd.s32 $0x1, s22;
	s25 =	sor.u32 s23, s24;
	[tilespmem:s21+$0x2980] =	vst v2  }
0xb2: {  	[tilespmem:s21+$0x2900] =	vst v2  }
0xb3: {  	[tilespmem:s21+$0x2800] =	vst v2  }
0xb4: {  	s26 =	sor.u32 $0x380, s20;
	s20 =	smov.u32 s25;
	[tilespmem:s21+$0x2880] =	vst v2  }
0xb5: {  	[tilespmem:s26+$0x2800] =	vst v2  }
0xb6: {  	[tilespmem:s21+$0x3000] =	vst v2  }
0xb7: {  	[tilespmem:s21+$0x3380] =	vst v2  }
0xb8: {  	[tilespmem:s21+$0x3300] =	vst v2  }
0xb9: {  	[tilespmem:s21+$0x3100] =	vst v2  }
0xba: {  	[tilespmem:s21+$0x3080] =	vst v2  }
0xbb: {  	[tilespmem:s21+$0x3200] =	vst v2  }
0xbc: {  	s25 =	sand.u32 $0x400, s23;
	[tilespmem:s21+$0x3280] =	vst v2  }
0xbd: {  	s28 =	sadd.s32 s25, s18;
	s26 =	sand.u32 $0x70, s24;
	[tilespmem:s21+$0x3180] =	vst v2  }
0xbe: {  	s21 =	sadd.s32 s26, s28;
	v2 =	vld.idx.msk [tilespmem:v4+s12+$0x0], $0xffff  }
0xbf: {  	v4 =	vld [tilespmem:s21+$0x0];
	_ =	sdelay $0x4  }
.Ltmp2:
0xc0: {  	vm0 =	vgt.f32 v2, $0.0e+00;
	vm1 =	vgt.f32 v4, $0.0e+00;
	(pc) =	sbr.rel @p0 .LBB2_7-.Ltmp2, $4  }
0xc1: {  	vm0 =	vmand vm0, vm1  }
0xc2: {  	s21 =	sor.u32 s26, s25;
	v2 =	vsel vm0, $0x3F800000, v0  }
0xc3: {  	[tilespmem:s21+$0x2B00] =	vst v2  }
0xc4: {  	[tilespmem:s21+$0x2A80] =	vst v2  }
0xc5: {  	[tilespmem:s21+$0x2A00] =	vst v2  }
0xc6: {  	[tilespmem:s21+$0x2980] =	vst v2  }
0xc7: {  	[tilespmem:s21+$0x2900] =	vst v2  }
0xc8: {  	[tilespmem:s21+$0x2800] =	vst v2  }
0xc9: {  	[tilespmem:s21+$0x2880] =	vst v2;
	s18 =	sor.u32 $0x380, s20  }
0xca: {  	[tilespmem:s18+$0x2800] =	vst v2  }
0xcb: {  	[tilespmem:s21+$0x3000] =	vst v2  }
0xcc: {  	[tilespmem:s21+$0x3380] =	vst v2  }
0xcd: {  	[tilespmem:s21+$0x3300] =	vst v2  }
0xce: {  	[tilespmem:s21+$0x3100] =	vst v2  }
0xcf: {  	[tilespmem:s21+$0x3080] =	vst v2  }
0xd0: {  	[tilespmem:s21+$0x3200] =	vst v2  }
0xd1: {  	[tilespmem:s21+$0x3280] =	vst v2  }
0xd2: {  	s16 =	sadd.s32 s2, s16;
	[tilespmem:s21+$0x3180] =	vst v2  }
0xd3: {  	[hbm4b:s16+s3] =	stream.linear.scatter [tilespmem:s13], [sflag:$0x1], $0x1000, $0x38;
	[tilespmem:$0x3980] =	vst v63  }
0xd4: {  	s31 =	sadd.s32 s2, s17;
	s15 =	sadd.s32 $0x1, s15  }
0xd5: {  	[hbm4b:s31+s3] =	stream.linear.scatter [tilespmem:s13], [sflag:$0x1], $0x1000, $0x38;
	[tilespmem:$0x3980] =	vst v63  }
0xd6: {  	p0 =	sne.s32 s15, $0x7;
	_ =	swait.ge [sflag:s9], $0x1000  }
.Ltmp3:
0xd7: {  	[sflag:s9] =	ssyncset.done $0x0;
	(pc) =	sbr.rel @p0 .LBB2_2-.Ltmp3, $4  }
0xd8: {  	[sflag:s9] =	ssyncadd.s32 $0xFFFFF000  }
0xd9: {  	_ =	swait.ge [sflag:s9], $0x1000  }
0xda: {  	[sflag:s9] =	ssyncset.done $0x0  }
0xdb: {  	[sflag:s9] =	ssyncadd.s32 $0xFFFFF000  }
0xdc: {  	s14 =	sadd.s32 $0x1, s14  }
0xdd: {  	p0 =	sne.s32 s14, s7  }
.Ltmp4:
0xde: {  	_ = 	snop;
	(pc) =	sbr.rel @p0 .LBB2_1-.Ltmp4, $1  }
0xdf: {  	_ =	sdelay $0x3  }
0xe0: {  	_ =	sfence.sel $0x180000  }
0xe1: {  	[bflag:$0x0] =	sbarrier.arrive $0xFFFF  }
0xe2: {  	p0 =	sne.s32 s0, $0x0;
	_ =	strace $0x90000047  }
0xe3: {  	s0 =	sadd.s32 @!p0 $0x100000, s1;
	[bflag:$0x2] =	sbarrier.arrive $0xFFFF  }
0xe4: {  	[sflag:s0] =	ssyncadd.tile.s32 @!p0 $0x1;
	_ =	shalt  }
.Lfunc_end2:
_tile_overlayer_lowered:
.L_overlay_start_2:
0xe5: {  	(tag) =	ssettag $0x2  }
0xe6: {  	s0 =	rddreg [dreg:$0x0];
	s2 =	stileid.u32  }
0xe7: {  	s1 =	rddreg [dreg:$0x1];
	p0 =	sne.s32 s2, $0x0  }
0xe8: {  	s3 =	rddreg [dreg:$0x2];
	[bflag:$0x3] =	sbarrier.arrive $0xFFFF;
	s2 =	simm.s32 @!p0 $0x1C02  }
0xe9: {  	[timem:s3], [sflag:s2] =	dma.local @!p0 [hbm:s0], s1  }
0xea: {  	s0 =	simm.s32 @!p0 $0x2  }
0xeb: {  	_ =	swait.ge @!p0 [sflag:s0], s1  }
0xec: {  	s1 =	ssub.s32 @!p0 $0x0, s1;
	[sflag:s0] =	ssyncset.done @!p0 $0x0  }
0xed: {  	[sflag:s0] =	ssyncadd.s32 @!p0 s1  }
0xee: {  	[bflag:$0x3] =	sbarrier.arrive $0xFFFF  }
0xef: {  	_ =	shalt  }

</sc_bundles>
